<compile_context>
chip_gen: v7x
topology: tpu7x:2x2x1
jax: 0.10.2.dev20260603
libtpu: 0.0.44.dev20260713+nightly
codegen_flags: <defaults>
</compile_context>

<pallas_src>
import functools

import jax
import jax.numpy as jnp
from jax import lax
from jax.experimental import pallas as pl
from jax.experimental.pallas import tpu as pltpu
from jax.experimental.pallas import tpu_sc as plsc

N, E, D, R = 10000, 320000, 128, 16

E2 = E // 2
EPS = E2 // 16
CH = 2000
CHP = 2048
WV = 128
NW = CHP // WV
ZREG = 640
ACC_R = 16 * ZREG
TRASH = N + 64
BN = 400
FB = 200


def _hb_body(h_ref, gw_ref, gb_ref, bt_ref, hb_ref):
    h = h_ref[...]
    s = lax.dot_general(h, gw_ref[...], (((1,), (1,)), ((), ())),
                        preferred_element_type=jnp.float32)
    g = jax.nn.sigmoid(s + gb_ref[...])
    for r in range(R):
        hb_ref[r] = g[:, r:r + 1] * (h + bt_ref[r])


def _gidx_body(src_ref, et_ref, gidx_ref):
    gidx_ref[...] = et_ref[...] * N + src_ref[...]


def _final_body(h_ref, w_ref, p_ref, out_ref):
    out_ref[...] = (
        jnp.dot(h_ref[...], w_ref[...], preferred_element_type=jnp.float32)
        + p_ref[0] + p_ref[1])


def _sc_edge_body(hb, gidx, dst, part,
                  dstc_v, gidxc_v, rows_a, rows_b, acc, sem_a, sem_b):
    c = lax.axis_index("c")
    s = lax.axis_index("s")
    zbase = s * ZREG

    zvec = jnp.zeros((16,), jnp.float32)

    def _zero(i, carry):
        for j in range(D // 16):
            rows_a[i, pl.ds(j * 16, 16)] = zvec
        return carry

    lax.fori_loop(0, WV, _zero, 0)
    for q in range(ZREG // 128):
        pltpu.sync_copy(rows_a.at[pl.ds(0, 128)],
                        acc.at[pl.ds(zbase + q * 128, 128)])
    plsc.subcore_barrier()

    ebase = c * E2 + s * EPS
    pad_d = jnp.full((16,), TRASH, jnp.int32)
    pad_g = jnp.zeros((16,), jnp.int32)
    bufs = (rows_a, rows_b)
    sems = (sem_a, sem_b)

    def _chunk(k, carry):
        eb = ebase + k * CH
        pltpu.sync_copy(dst.at[pl.ds(eb, CH)], dstc_v.at[pl.ds(0, CH)])
        pltpu.sync_copy(gidx.at[pl.ds(eb, CH)], gidxc_v.at[pl.ds(0, CH)])
        for j in range((CHP - CH) // 16):
            dstc_v[pl.ds(CH + j * 16, 16)] = pad_d
            gidxc_v[pl.ds(CH + j * 16, 16)] = pad_g

        def _gather(w):
            return pltpu.async_copy(
                hb.at[gidxc_v.at[pl.ds(w * WV, WV)]], bufs[w % 2], sems[w % 2])

        cps = [_gather(0), _gather(1)]
        for w in range(NW):
            cps[w % 2].wait()
            pltpu.sync_copy(bufs[w % 2],
                            acc.at[dstc_v.at[pl.ds(w * WV, WV)]], add=True)
            if w + 2 < NW:
                cps[w % 2] = _gather(w + 2)
        return carry

    lax.fori_loop(0, EPS // CH, _chunk, 0)
    plsc.subcore_barrier()
    pltpu.sync_copy(acc.at[pl.ds(zbase, ZREG)], part.at[c, pl.ds(zbase, ZREG)])


@functools.cache
def _sc_call():
    return pl.kernel(
        _sc_edge_body,
        out_type=jax.ShapeDtypeStruct((2, ACC_R, D), jnp.float32),
        mesh=plsc.VectorSubcoreMesh(core_axis_name="c", subcore_axis_name="s"),
        scratch_types=[
            pltpu.VMEM((CHP,), jnp.int32),
            pltpu.VMEM((CHP,), jnp.int32),
            pltpu.VMEM((WV, D), jnp.float32),
            pltpu.VMEM((WV, D), jnp.float32),
            pltpu.VMEM_SHARED((ACC_R, D), jnp.float32),
            pltpu.SemaphoreType.DMA,
            pltpu.SemaphoreType.DMA,
        ],
    )


def kernel(h, edge_index, etypes, bias_term, gate_weight, gate_bias, loop_weight):
    src = edge_index[0].astype(jnp.int32)
    dst = edge_index[1].astype(jnp.int32)
    et = etypes.astype(jnp.int32)

    gw = gate_weight.reshape(R, D)
    gb = gate_bias.reshape(1, R)

    hb = pl.pallas_call(
        _hb_body,
        grid=(25,),
        in_specs=[
            pl.BlockSpec((BN, D), lambda i: (i, 0)),
            pl.BlockSpec((R, D), lambda i: (0, 0)),
            pl.BlockSpec((1, R), lambda i: (0, 0)),
            pl.BlockSpec((R, D), lambda i: (0, 0)),
        ],
        out_specs=pl.BlockSpec((R, BN, D), lambda i: (0, i, 0)),
        out_shape=jax.ShapeDtypeStruct((R, N, D), jnp.float32),
    )(h, gw, gb, bias_term)

    gidx2d = pl.pallas_call(
        _gidx_body,
        out_shape=jax.ShapeDtypeStruct((E // 128, 128), jnp.int32),
    )(src.reshape(E // 128, 128), et.reshape(E // 128, 128))

    part = _sc_call()(hb.reshape(R * N, D), gidx2d.reshape(E), dst)

    p = part[:, :N, :]

    out = pl.pallas_call(
        _final_body,
        grid=(N // FB,),
        in_specs=[
            pl.BlockSpec((FB, D), lambda i: (i, 0)),
            pl.BlockSpec((D, D), lambda i: (0, 0)),
            pl.BlockSpec((2, FB, D), lambda i: (0, i, 0)),
        ],
        out_specs=pl.BlockSpec((FB, D), lambda i: (i, 0)),
        out_shape=jax.ShapeDtypeStruct((N, D), jnp.float32),
    )(h, loop_weight, p)
    return out

# --- scband reference (transcript-rebuilt; emitter-appended) ---
"""Pipeline reference for scband-rgcnlayer-10402410791331 (READ-ONLY COPY).

The authoritative reference and input builder live on the scoring server;
editing this copy changes nothing except your own understanding.
"""

import jax, jax.numpy as jnp
import numpy as np

N, E, D, R = 10000, 320000, 128, 16


def setup_inputs(seed: int = 0) -> dict:
    key = jax.random.key(seed)
    ks = jax.random.split(key, 8)
    h = jax.random.normal(ks[0], (N, D), dtype=jnp.float32)
    edge_index = jax.random.randint(ks[1], (2, E), 0, N, dtype=jnp.int64) if jax.config.jax_enable_x64 else jax.random.randint(ks[1], (2, E), 0, N, dtype=jnp.int32)
    etypes = jax.random.randint(ks[2], (E,), 0, R, dtype=jnp.int32)
    # learned parameters (xavier-like scaling)
    bias_term = jax.random.normal(ks[3], (R, D), dtype=jnp.float32) * float(np.sqrt(2.0 / (R + D)))
    gate_weight = jax.random.normal(ks[4], (R, D, 1), dtype=jnp.float32) * float(np.sqrt(2.0 / (D + 1)))
    gate_bias = jax.random.normal(ks[5], (R, 1), dtype=jnp.float32) * float(np.sqrt(2.0 / (R + 1)))
    loop_weight = jax.random.normal(ks[6], (D, D), dtype=jnp.float32) * float(np.sqrt(2.0 / (D + D)))
    return {
        "h": h,
        "edge_index": edge_index,
        "etypes": etypes,
        "bias_term": bias_term,
        "gate_weight": gate_weight,
        "gate_bias": gate_bias,
        "loop_weight": loop_weight,
    }


def reference(h, edge_index, etypes, bias_term, gate_weight, gate_bias, loop_weight):
    # self_loop branch: loop_message = h @ loop_weight (dropout=0 -> identity)
    loop_message = h @ loop_weight
    # propagate: relation-typed gated message passing
    src = edge_index[0]
    dst = edge_index[1]
    m = jnp.take(h, src, axis=0)                       # [E, D] gather
    gw = jnp.take(gate_weight, etypes, axis=0)         # [E, D, 1]
    gb = jnp.take(gate_bias, etypes, axis=0)           # [E, 1]
    bt = jnp.take(bias_term, etypes, axis=0)           # [E, D]
    gate = jax.nn.sigmoid(jnp.einsum("ed,edo->eo", m, gw) + gb)  # [E, 1]
    msg = gate * (m + bt)                              # [E, D]
    agg = jax.ops.segment_sum(msg, dst, num_segments=N)  # scatter-add -> [N, D]
    node_repr = agg + loop_message
    # activation=None -> no-op
    return node_repr

if __name__ == "__main__":
    import jax
    _d = setup_inputs()
    print(jax.jit(kernel)(*tuple(_d.values())))

</pallas_src>

<mosaic_0001>
#map = affine_map<(d0, d1) -> (0, 0)>
#map1 = affine_map<(d0, d1) -> (0)>
#map2 = affine_map<(d0, d1) -> (0, 0, 0)>
module attributes {stable_mosaic.version = 14 : i64} {
  func.func @_sc_edge_body(%arg0: i32, %arg1: i32, %arg2: memref<160000x128xf32, #tpu.memory_space<hbm>>, %arg3: memref<320000xi32, #tpu.memory_space<hbm>>, %arg4: memref<320000xi32, #tpu.memory_space<hbm>>, %arg5: memref<2x10240x128xf32, #tpu.memory_space<hbm>>, %arg6: memref<2048xi32, #tpu.memory_space<vmem>>, %arg7: memref<2048xi32, #tpu.memory_space<vmem>>, %arg8: memref<128x128xf32, #tpu.memory_space<vmem>>, %arg9: memref<128x128xf32, #tpu.memory_space<vmem>>, %arg10: memref<10240x128xf32, #tpu.memory_space<vmem_shared>>, %arg11: memref<!tpu.dma_semaphore, #tpu.memory_space<semaphore_mem>>, %arg12: memref<!tpu.dma_semaphore, #tpu.memory_space<semaphore_mem>>) attributes {dimension_semantics = [#tpu.dimension_semantics<core_parallel>, #tpu.dimension_semantics<subcore_parallel>], iteration_bounds = array<i64: 2, 16>, scalar_prefetch = 0 : i64, scratch_operands = 7 : i64, tpu.core_type = #tpu.core_type<sc_vector_subcore>, window_params = [{transform_indices = #map}, {transform_indices = #map1}, {transform_indices = #map1}, {transform_indices = #map2}]} {
    %mul3A = arith.constant 640 : i32
    %mul3A_0 = arith.muli %arg1, %mul3A : i32
    %broadcast_in_dim3A = arith.constant 0.000000e+00 : f32
    %broadcast_in_dim3A_1 = vector.broadcast %broadcast_in_dim3A : f32 to vector<16xf32>
    %scan3A = arith.constant 0 : i32
    %scan3A_2 = arith.constant 0 : i32
    %scan3A_3 = arith.constant 128 : i32
    %scan3A_4 = arith.addi %scan3A_2, %scan3A_3 : i32
    %scan3A_5 = arith.constant 1 : i32
    scf.for %scan3A_32 = %scan3A_2 to %scan3A_4 step %scan3A_5  : i32 {
      %swap3A = arith.index_cast %scan3A_32 : i32 to index
      %swap3A_33 = arith.constant 0 : index
      %swap3A_34 = tpu.vector_load %arg8[%swap3A, %swap3A_33] {strides = array<i32>} : memref<128x128xf32, #tpu.memory_space<vmem>>, vector<1x16xf32>,
      %swap3A_35 = vector.shape_cast %swap3A_34 : vector<1x16xf32> to vector<16xf32>
      %swap3A_36 = vector.shape_cast %broadcast_in_dim3A_1 : vector<16xf32> to vector<1x16xf32>
      tpu.vector_store %arg8[%swap3A, %swap3A_33], %swap3A_36 {strides = array<i32>} : memref<128x128xf32, #tpu.memory_space<vmem>>, vector<1x16xf32>,
      %swap3A_37 = arith.index_cast %scan3A_32 : i32 to index
      %swap3A_38 = arith.constant 16 : index
      %swap3A_39 = tpu.vector_load %arg8[%swap3A_37, %swap3A_38] {strides = array<i32>} : memref<128x128xf32, #tpu.memory_space<vmem>>, vector<1x16xf32>,
      %swap3A_40 = vector.shape_cast %swap3A_39 : vector<1x16xf32> to vector<16xf32>
      %swap3A_41 = vector.shape_cast %broadcast_in_dim3A_1 : vector<16xf32> to vector<1x16xf32>
      tpu.vector_store %arg8[%swap3A_37, %swap3A_38], %swap3A_41 {strides = array<i32>} : memref<128x128xf32, #tpu.memory_space<vmem>>, vector<1x16xf32>,
      %swap3A_42 = arith.index_cast %scan3A_32 : i32 to index
      %swap3A_43 = arith.constant 32 : index
      %swap3A_44 = tpu.vector_load %arg8[%swap3A_42, %swap3A_43] {strides = array<i32>} : memref<128x128xf32, #tpu.memory_space<vmem>>, vector<1x16xf32>,
      %swap3A_45 = vector.shape_cast %swap3A_44 : vector<1x16xf32> to vector<16xf32>
      %swap3A_46 = vector.shape_cast %broadcast_in_dim3A_1 : vector<16xf32> to vector<1x16xf32>
      tpu.vector_store %arg8[%swap3A_42, %swap3A_43], %swap3A_46 {strides = array<i32>} : memref<128x128xf32, #tpu.memory_space<vmem>>, vector<1x16xf32>,
      %swap3A_47 = arith.index_cast %scan3A_32 : i32 to index
      %swap3A_48 = arith.constant 48 : index
      %swap3A_49 = tpu.vector_load %arg8[%swap3A_47, %swap3A_48] {strides = array<i32>} : memref<128x128xf32, #tpu.memory_space<vmem>>, vector<1x16xf32>,
      %swap3A_50 = vector.shape_cast %swap3A_49 : vector<1x16xf32> to vector<16xf32>
      %swap3A_51 = vector.shape_cast %broadcast_in_dim3A_1 : vector<16xf32> to vector<1x16xf32>
      tpu.vector_store %arg8[%swap3A_47, %swap3A_48], %swap3A_51 {strides = array<i32>} : memref<128x128xf32, #tpu.memory_space<vmem>>, vector<1x16xf32>,
      %swap3A_52 = arith.index_cast %scan3A_32 : i32 to index
      %swap3A_53 = arith.constant 64 : index
      %swap3A_54 = tpu.vector_load %arg8[%swap3A_52, %swap3A_53] {strides = array<i32>} : memref<128x128xf32, #tpu.memory_space<vmem>>, vector<1x16xf32>,
      %swap3A_55 = vector.shape_cast %swap3A_54 : vector<1x16xf32> to vector<16xf32>
      %swap3A_56 = vector.shape_cast %broadcast_in_dim3A_1 : vector<16xf32> to vector<1x16xf32>
      tpu.vector_store %arg8[%swap3A_52, %swap3A_53], %swap3A_56 {strides = array<i32>} : memref<128x128xf32, #tpu.memory_space<vmem>>, vector<1x16xf32>,
      %swap3A_57 = arith.index_cast %scan3A_32 : i32 to index
      %swap3A_58 = arith.constant 80 : index
      %swap3A_59 = tpu.vector_load %arg8[%swap3A_57, %swap3A_58] {strides = array<i32>} : memref<128x128xf32, #tpu.memory_space<vmem>>, vector<1x16xf32>,
      %swap3A_60 = vector.shape_cast %swap3A_59 : vector<1x16xf32> to vector<16xf32>
      %swap3A_61 = vector.shape_cast %broadcast_in_dim3A_1 : vector<16xf32> to vector<1x16xf32>
      tpu.vector_store %arg8[%swap3A_57, %swap3A_58], %swap3A_61 {strides = array<i32>} : memref<128x128xf32, #tpu.memory_space<vmem>>, vector<1x16xf32>,
      %swap3A_62 = arith.index_cast %scan3A_32 : i32 to index
      %swap3A_63 = arith.constant 96 : index
      %swap3A_64 = tpu.vector_load %arg8[%swap3A_62, %swap3A_63] {strides = array<i32>} : memref<128x128xf32, #tpu.memory_space<vmem>>, vector<1x16xf32>,
      %swap3A_65 = vector.shape_cast %swap3A_64 : vector<1x16xf32> to vector<16xf32>
      %swap3A_66 = vector.shape_cast %broadcast_in_dim3A_1 : vector<16xf32> to vector<1x16xf32>
      tpu.vector_store %arg8[%swap3A_62, %swap3A_63], %swap3A_66 {strides = array<i32>} : memref<128x128xf32, #tpu.memory_space<vmem>>, vector<1x16xf32>,
      %swap3A_67 = arith.index_cast %scan3A_32 : i32 to index
      %swap3A_68 = arith.constant 112 : index
      %swap3A_69 = tpu.vector_load %arg8[%swap3A_67, %swap3A_68] {strides = array<i32>} : memref<128x128xf32, #tpu.memory_space<vmem>>, vector<1x16xf32>,
      %swap3A_70 = vector.shape_cast %swap3A_69 : vector<1x16xf32> to vector<16xf32>
      %swap3A_71 = vector.shape_cast %broadcast_in_dim3A_1 : vector<16xf32> to vector<1x16xf32>
      tpu.vector_store %arg8[%swap3A_67, %swap3A_68], %swap3A_71 {strides = array<i32>} : memref<128x128xf32, #tpu.memory_space<vmem>>, vector<1x16xf32>,
    }
    %scan3A_6 = arith.constant 128 : i32
    %add3A = arith.constant 0 : i32
    %add3A_7 = arith.addi %mul3A_0, %add3A : i32
    "tpu.region"() ({
      %run_scoped3A = tpu.sem_alloc : memref<!tpu.dma_semaphore, #tpu.memory_space<semaphore_mem>>
      %dma_start3A = arith.constant 0 : i32
      %dma_start3A_32 = arith.constant 0 : i32
      %dma_start3A_33 = tpu.memref_slice %arg8[%dma_start3A, %dma_start3A_32] : memref<128x128xf32, #tpu.memory_space<vmem>> -> memref<128x128xf32, #tpu.memory_space<vmem>>
      %dma_start3A_34 = arith.constant 0 : i32
      %dma_start3A_35 = tpu.memref_slice %arg10[%add3A_7, %dma_start3A_34] : memref<10240x128xf32, #tpu.memory_space<vmem_shared>> -> memref<128x128xf32, #tpu.memory_space<vmem_shared>>
      %dma_start3A_36 = arith.constant 0 : i32
      %dma_start3A_37 = tpu.memref_slice %arg10[%add3A_7, %dma_start3A_36] : memref<10240x128xf32, #tpu.memory_space<vmem_shared>> -> memref<128x128xf32, #tpu.memory_space<vmem_shared>>
      %dma_start3A_38 = arith.constant 0 : i32
      %dma_start3A_39 = arith.constant 0 : i32
      %dma_start3A_40 = tpu.memref_slice %arg8[%dma_start3A_38, %dma_start3A_39] : memref<128x128xf32, #tpu.memory_space<vmem>> -> memref<128x128xf32, #tpu.memory_space<vmem>>
      tpu.enqueue_dma source(%dma_start3A_40 : memref<128x128xf32, #tpu.memory_space<vmem>>) target(%dma_start3A_37 : memref<128x128xf32, #tpu.memory_space<vmem_shared>>) target_semaphore(%run_scoped3A : memref<!tpu.dma_semaphore, #tpu.memory_space<semaphore_mem>>)
      %dma_wait3A = arith.constant 0 : i32
      %dma_wait3A_41 = arith.constant 0 : i32
      %dma_wait3A_42 = tpu.memref_slice %arg8[%dma_wait3A, %dma_wait3A_41] : memref<128x128xf32, #tpu.memory_space<vmem>> -> memref<128x128xf32, #tpu.memory_space<vmem>>
      %dma_wait3A_43 = arith.constant 0 : i32
      %dma_wait3A_44 = tpu.memref_slice %arg10[%add3A_7, %dma_wait3A_43] : memref<10240x128xf32, #tpu.memory_space<vmem_shared>> -> memref<128x128xf32, #tpu.memory_space<vmem_shared>>
      %dma_wait3A_45 = arith.constant 0 : i32
      %dma_wait3A_46 = tpu.memref_slice %arg10[%add3A_7, %dma_wait3A_45] : memref<10240x128xf32, #tpu.memory_space<vmem_shared>> -> memref<128x128xf32, #tpu.memory_space<vmem_shared>>
      %dma_wait3A_47 = arith.constant 0 : i32
      %dma_wait3A_48 = arith.constant 0 : i32
      %dma_wait3A_49 = tpu.memref_slice %arg8[%dma_wait3A_47, %dma_wait3A_48] : memref<128x128xf32, #tpu.memory_space<vmem>> -> memref<128x128xf32, #tpu.memory_space<vmem>>
      tpu.wait_dma2 semaphore(%run_scoped3A : memref<!tpu.dma_semaphore, #tpu.memory_space<semaphore_mem>>) src(%dma_wait3A_49 : memref<128x128xf32, #tpu.memory_space<vmem>>) dst(%dma_wait3A_46 : memref<128x128xf32, #tpu.memory_space<vmem_shared>>)
      tpu.yield
    }) : () -> ()
    %add3A_8 = arith.constant 128 : i32
    %add3A_9 = arith.addi %mul3A_0, %add3A_8 : i32
    "tpu.region"() ({
      %run_scoped3A = tpu.sem_alloc : memref<!tpu.dma_semaphore, #tpu.memory_space<semaphore_mem>>
      %dma_start3A = arith.constant 0 : i32
      %dma_start3A_32 = arith.constant 0 : i32
      %dma_start3A_33 = tpu.memref_slice %arg8[%dma_start3A, %dma_start3A_32] : memref<128x128xf32, #tpu.memory_space<vmem>> -> memref<128x128xf32, #tpu.memory_space<vmem>>
      %dma_start3A_34 = arith.constant 0 : i32
      %dma_start3A_35 = tpu.memref_slice %arg10[%add3A_9, %dma_start3A_34] : memref<10240x128xf32, #tpu.memory_space<vmem_shared>> -> memref<128x128xf32, #tpu.memory_space<vmem_shared>>
      %dma_start3A_36 = arith.constant 0 : i32
      %dma_start3A_37 = tpu.memref_slice %arg10[%add3A_9, %dma_start3A_36] : memref<10240x128xf32, #tpu.memory_space<vmem_shared>> -> memref<128x128xf32, #tpu.memory_space<vmem_shared>>
      %dma_start3A_38 = arith.constant 0 : i32
      %dma_start3A_39 = arith.constant 0 : i32
      %dma_start3A_40 = tpu.memref_slice %arg8[%dma_start3A_38, %dma_start3A_39] : memref<128x128xf32, #tpu.memory_space<vmem>> -> memref<128x128xf32, #tpu.memory_space<vmem>>
      tpu.enqueue_dma source(%dma_start3A_40 : memref<128x128xf32, #tpu.memory_space<vmem>>) target(%dma_start3A_37 : memref<128x128xf32, #tpu.memory_space<vmem_shared>>) target_semaphore(%run_scoped3A : memref<!tpu.dma_semaphore, #tpu.memory_space<semaphore_mem>>)
      %dma_wait3A = arith.constant 0 : i32
      %dma_wait3A_41 = arith.constant 0 : i32
      %dma_wait3A_42 = tpu.memref_slice %arg8[%dma_wait3A, %dma_wait3A_41] : memref<128x128xf32, #tpu.memory_space<vmem>> -> memref<128x128xf32, #tpu.memory_space<vmem>>
      %dma_wait3A_43 = arith.constant 0 : i32
      %dma_wait3A_44 = tpu.memref_slice %arg10[%add3A_9, %dma_wait3A_43] : memref<10240x128xf32, #tpu.memory_space<vmem_shared>> -> memref<128x128xf32, #tpu.memory_space<vmem_shared>>
      %dma_wait3A_45 = arith.constant 0 : i32
      %dma_wait3A_46 = tpu.memref_slice %arg10[%add3A_9, %dma_wait3A_45] : memref<10240x128xf32, #tpu.memory_space<vmem_shared>> -> memref<128x128xf32, #tpu.memory_space<vmem_shared>>
      %dma_wait3A_47 = arith.constant 0 : i32
      %dma_wait3A_48 = arith.constant 0 : i32
      %dma_wait3A_49 = tpu.memref_slice %arg8[%dma_wait3A_47, %dma_wait3A_48] : memref<128x128xf32, #tpu.memory_space<vmem>> -> memref<128x128xf32, #tpu.memory_space<vmem>>
      tpu.wait_dma2 semaphore(%run_scoped3A : memref<!tpu.dma_semaphore, #tpu.memory_space<semaphore_mem>>) src(%dma_wait3A_49 : memref<128x128xf32, #tpu.memory_space<vmem>>) dst(%dma_wait3A_46 : memref<128x128xf32, #tpu.memory_space<vmem_shared>>)
      tpu.yield
    }) : () -> ()
    %add3A_10 = arith.constant 256 : i32
    %add3A_11 = arith.addi %mul3A_0, %add3A_10 : i32
    "tpu.region"() ({
      %run_scoped3A = tpu.sem_alloc : memref<!tpu.dma_semaphore, #tpu.memory_space<semaphore_mem>>
      %dma_start3A = arith.constant 0 : i32
      %dma_start3A_32 = arith.constant 0 : i32
      %dma_start3A_33 = tpu.memref_slice %arg8[%dma_start3A, %dma_start3A_32] : memref<128x128xf32, #tpu.memory_space<vmem>> -> memref<128x128xf32, #tpu.memory_space<vmem>>
      %dma_start3A_34 = arith.constant 0 : i32
      %dma_start3A_35 = tpu.memref_slice %arg10[%add3A_11, %dma_start3A_34] : memref<10240x128xf32, #tpu.memory_space<vmem_shared>> -> memref<128x128xf32, #tpu.memory_space<vmem_shared>>
      %dma_start3A_36 = arith.constant 0 : i32
      %dma_start3A_37 = tpu.memref_slice %arg10[%add3A_11, %dma_start3A_36] : memref<10240x128xf32, #tpu.memory_space<vmem_shared>> -> memref<128x128xf32, #tpu.memory_space<vmem_shared>>
      %dma_start3A_38 = arith.constant 0 : i32
      %dma_start3A_39 = arith.constant 0 : i32
      %dma_start3A_40 = tpu.memref_slice %arg8[%dma_start3A_38, %dma_start3A_39] : memref<128x128xf32, #tpu.memory_space<vmem>> -> memref<128x128xf32, #tpu.memory_space<vmem>>
      tpu.enqueue_dma source(%dma_start3A_40 : memref<128x128xf32, #tpu.memory_space<vmem>>) target(%dma_start3A_37 : memref<128x128xf32, #tpu.memory_space<vmem_shared>>) target_semaphore(%run_scoped3A : memref<!tpu.dma_semaphore, #tpu.memory_space<semaphore_mem>>)
      %dma_wait3A = arith.constant 0 : i32
      %dma_wait3A_41 = arith.constant 0 : i32
      %dma_wait3A_42 = tpu.memref_slice %arg8[%dma_wait3A, %dma_wait3A_41] : memref<128x128xf32, #tpu.memory_space<vmem>> -> memref<128x128xf32, #tpu.memory_space<vmem>>
      %dma_wait3A_43 = arith.constant 0 : i32
      %dma_wait3A_44 = tpu.memref_slice %arg10[%add3A_11, %dma_wait3A_43] : memref<10240x128xf32, #tpu.memory_space<vmem_shared>> -> memref<128x128xf32, #tpu.memory_space<vmem_shared>>
      %dma_wait3A_45 = arith.constant 0 : i32
      %dma_wait3A_46 = tpu.memref_slice %arg10[%add3A_11, %dma_wait3A_45] : memref<10240x128xf32, #tpu.memory_space<vmem_shared>> -> memref<128x128xf32, #tpu.memory_space<vmem_shared>>
      %dma_wait3A_47 = arith.constant 0 : i32
      %dma_wait3A_48 = arith.constant 0 : i32
      %dma_wait3A_49 = tpu.memref_slice %arg8[%dma_wait3A_47, %dma_wait3A_48] : memref<128x128xf32, #tpu.memory_space<vmem>> -> memref<128x128xf32, #tpu.memory_space<vmem>>
      tpu.wait_dma2 semaphore(%run_scoped3A : memref<!tpu.dma_semaphore, #tpu.memory_space<semaphore_mem>>) src(%dma_wait3A_49 : memref<128x128xf32, #tpu.memory_space<vmem>>) dst(%dma_wait3A_46 : memref<128x128xf32, #tpu.memory_space<vmem_shared>>)
      tpu.yield
    }) : () -> ()
    %add3A_12 = arith.constant 384 : i32
    %add3A_13 = arith.addi %mul3A_0, %add3A_12 : i32
    "tpu.region"() ({
      %run_scoped3A = tpu.sem_alloc : memref<!tpu.dma_semaphore, #tpu.memory_space<semaphore_mem>>
      %dma_start3A = arith.constant 0 : i32
      %dma_start3A_32 = arith.constant 0 : i32
      %dma_start3A_33 = tpu.memref_slice %arg8[%dma_start3A, %dma_start3A_32] : memref<128x128xf32, #tpu.memory_space<vmem>> -> memref<128x128xf32, #tpu.memory_space<vmem>>
      %dma_start3A_34 = arith.constant 0 : i32
      %dma_start3A_35 = tpu.memref_slice %arg10[%add3A_13, %dma_start3A_34] : memref<10240x128xf32, #tpu.memory_space<vmem_shared>> -> memref<128x128xf32, #tpu.memory_space<vmem_shared>>
      %dma_start3A_36 = arith.constant 0 : i32
      %dma_start3A_37 = tpu.memref_slice %arg10[%add3A_13, %dma_start3A_36] : memref<10240x128xf32, #tpu.memory_space<vmem_shared>> -> memref<128x128xf32, #tpu.memory_space<vmem_shared>>
      %dma_start3A_38 = arith.constant 0 : i32
      %dma_start3A_39 = arith.constant 0 : i32
      %dma_start3A_40 = tpu.memref_slice %arg8[%dma_start3A_38, %dma_start3A_39] : memref<128x128xf32, #tpu.memory_space<vmem>> -> memref<128x128xf32, #tpu.memory_space<vmem>>
      tpu.enqueue_dma source(%dma_start3A_40 : memref<128x128xf32, #tpu.memory_space<vmem>>) target(%dma_start3A_37 : memref<128x128xf32, #tpu.memory_space<vmem_shared>>) target_semaphore(%run_scoped3A : memref<!tpu.dma_semaphore, #tpu.memory_space<semaphore_mem>>)
      %dma_wait3A = arith.constant 0 : i32
      %dma_wait3A_41 = arith.constant 0 : i32
      %dma_wait3A_42 = tpu.memref_slice %arg8[%dma_wait3A, %dma_wait3A_41] : memref<128x128xf32, #tpu.memory_space<vmem>> -> memref<128x128xf32, #tpu.memory_space<vmem>>
      %dma_wait3A_43 = arith.constant 0 : i32
      %dma_wait3A_44 = tpu.memref_slice %arg10[%add3A_13, %dma_wait3A_43] : memref<10240x128xf32, #tpu.memory_space<vmem_shared>> -> memref<128x128xf32, #tpu.memory_space<vmem_shared>>
      %dma_wait3A_45 = arith.constant 0 : i32
      %dma_wait3A_46 = tpu.memref_slice %arg10[%add3A_13, %dma_wait3A_45] : memref<10240x128xf32, #tpu.memory_space<vmem_shared>> -> memref<128x128xf32, #tpu.memory_space<vmem_shared>>
      %dma_wait3A_47 = arith.constant 0 : i32
      %dma_wait3A_48 = arith.constant 0 : i32
      %dma_wait3A_49 = tpu.memref_slice %arg8[%dma_wait3A_47, %dma_wait3A_48] : memref<128x128xf32, #tpu.memory_space<vmem>> -> memref<128x128xf32, #tpu.memory_space<vmem>>
      tpu.wait_dma2 semaphore(%run_scoped3A : memref<!tpu.dma_semaphore, #tpu.memory_space<semaphore_mem>>) src(%dma_wait3A_49 : memref<128x128xf32, #tpu.memory_space<vmem>>) dst(%dma_wait3A_46 : memref<128x128xf32, #tpu.memory_space<vmem_shared>>)
      tpu.yield
    }) : () -> ()
    %add3A_14 = arith.constant 512 : i32
    %add3A_15 = arith.addi %mul3A_0, %add3A_14 : i32
    "tpu.region"() ({
      %run_scoped3A = tpu.sem_alloc : memref<!tpu.dma_semaphore, #tpu.memory_space<semaphore_mem>>
      %dma_start3A = arith.constant 0 : i32
      %dma_start3A_32 = arith.constant 0 : i32
      %dma_start3A_33 = tpu.memref_slice %arg8[%dma_start3A, %dma_start3A_32] : memref<128x128xf32, #tpu.memory_space<vmem>> -> memref<128x128xf32, #tpu.memory_space<vmem>>
      %dma_start3A_34 = arith.constant 0 : i32
      %dma_start3A_35 = tpu.memref_slice %arg10[%add3A_15, %dma_start3A_34] : memref<10240x128xf32, #tpu.memory_space<vmem_shared>> -> memref<128x128xf32, #tpu.memory_space<vmem_shared>>
      %dma_start3A_36 = arith.constant 0 : i32
      %dma_start3A_37 = tpu.memref_slice %arg10[%add3A_15, %dma_start3A_36] : memref<10240x128xf32, #tpu.memory_space<vmem_shared>> -> memref<128x128xf32, #tpu.memory_space<vmem_shared>>
      %dma_start3A_38 = arith.constant 0 : i32
      %dma_start3A_39 = arith.constant 0 : i32
      %dma_start3A_40 = tpu.memref_slice %arg8[%dma_start3A_38, %dma_start3A_39] : memref<128x128xf32, #tpu.memory_space<vmem>> -> memref<128x128xf32, #tpu.memory_space<vmem>>
      tpu.enqueue_dma source(%dma_start3A_40 : memref<128x128xf32, #tpu.memory_space<vmem>>) target(%dma_start3A_37 : memref<128x128xf32, #tpu.memory_space<vmem_shared>>) target_semaphore(%run_scoped3A : memref<!tpu.dma_semaphore, #tpu.memory_space<semaphore_mem>>)
      %dma_wait3A = arith.constant 0 : i32
      %dma_wait3A_41 = arith.constant 0 : i32
      %dma_wait3A_42 = tpu.memref_slice %arg8[%dma_wait3A, %dma_wait3A_41] : memref<128x128xf32, #tpu.memory_space<vmem>> -> memref<128x128xf32, #tpu.memory_space<vmem>>
      %dma_wait3A_43 = arith.constant 0 : i32
      %dma_wait3A_44 = tpu.memref_slice %arg10[%add3A_15, %dma_wait3A_43] : memref<10240x128xf32, #tpu.memory_space<vmem_shared>> -> memref<128x128xf32, #tpu.memory_space<vmem_shared>>
      %dma_wait3A_45 = arith.constant 0 : i32
      %dma_wait3A_46 = tpu.memref_slice %arg10[%add3A_15, %dma_wait3A_45] : memref<10240x128xf32, #tpu.memory_space<vmem_shared>> -> memref<128x128xf32, #tpu.memory_space<vmem_shared>>
      %dma_wait3A_47 = arith.constant 0 : i32
      %dma_wait3A_48 = arith.constant 0 : i32
      %dma_wait3A_49 = tpu.memref_slice %arg8[%dma_wait3A_47, %dma_wait3A_48] : memref<128x128xf32, #tpu.memory_space<vmem>> -> memref<128x128xf32, #tpu.memory_space<vmem>>
      tpu.wait_dma2 semaphore(%run_scoped3A : memref<!tpu.dma_semaphore, #tpu.memory_space<semaphore_mem>>) src(%dma_wait3A_49 : memref<128x128xf32, #tpu.memory_space<vmem>>) dst(%dma_wait3A_46 : memref<128x128xf32, #tpu.memory_space<vmem_shared>>)
      tpu.yield
    }) : () -> ()
    %barrier3A = arith.constant 0 : index
    tpu.barrier barrier_id(%barrier3A)
    %mul3A_16 = arith.constant 160000 : i32
    %mul3A_17 = arith.muli %arg0, %mul3A_16 : i32
    %mul3A_18 = arith.constant 10000 : i32
    %mul3A_19 = arith.muli %arg1, %mul3A_18 : i32
    %add3A_20 = arith.addi %mul3A_17, %mul3A_19 : i32
    %broadcast_in_dim3A_21 = arith.constant 10064 : i32
    %broadcast_in_dim3A_22 = vector.broadcast %broadcast_in_dim3A_21 : i32 to vector<16xi32>
    %broadcast_in_dim3A_23 = arith.constant 0 : i32
    %broadcast_in_dim3A_24 = vector.broadcast %broadcast_in_dim3A_23 : i32 to vector<16xi32>
    %scan3A_25 = arith.constant 0 : i32
    %scan3A_26 = arith.constant 0 : i32
    %scan3A_27 = arith.constant 5 : i32
    %scan3A_28 = arith.addi %scan3A_26, %scan3A_27 : i32
    %scan3A_29 = arith.constant 1 : i32
    scf.for %scan3A_32 = %scan3A_26 to %scan3A_28 step %scan3A_29  : i32 {
      %mul3A_33 = arith.constant 2000 : i32
      %mul3A_34 = arith.muli %scan3A_32, %mul3A_33 : i32
      %add3A_35 = arith.addi %add3A_20, %mul3A_34 : i32
      "tpu.region"() ({
        %run_scoped3A = tpu.sem_alloc : memref<!tpu.dma_semaphore, #tpu.memory_space<semaphore_mem>>
        %dma_start3A_217 = arith.constant 0 : i32
        %dma_start3A_218 = tpu.memref_slice %arg6[%dma_start3A_217] : memref<2048xi32, #tpu.memory_space<vmem>> -> memref<2000xi32, #tpu.memory_space<vmem>>
        %dma_start3A_219 = tpu.memref_slice %arg4[%add3A_35] : memref<320000xi32, #tpu.memory_space<hbm>> -> memref<2000xi32, #tpu.memory_space<hbm>>
        %dma_start3A_220 = arith.constant 0 : i32
        %dma_start3A_221 = tpu.memref_slice %arg6[%dma_start3A_220] : memref<2048xi32, #tpu.memory_space<vmem>> -> memref<2000xi32, #tpu.memory_space<vmem>>
        %dma_start3A_222 = tpu.memref_slice %arg4[%add3A_35] : memref<320000xi32, #tpu.memory_space<hbm>> -> memref<2000xi32, #tpu.memory_space<hbm>>
        tpu.enqueue_dma source(%dma_start3A_222 : memref<2000xi32, #tpu.memory_space<hbm>>) target(%dma_start3A_221 : memref<2000xi32, #tpu.memory_space<vmem>>) target_semaphore(%run_scoped3A : memref<!tpu.dma_semaphore, #tpu.memory_space<semaphore_mem>>)
        %dma_wait3A_223 = arith.constant 0 : i32
        %dma_wait3A_224 = tpu.memref_slice %arg6[%dma_wait3A_223] : memref<2048xi32, #tpu.memory_space<vmem>> -> memref<2000xi32, #tpu.memory_space<vmem>>
        %dma_wait3A_225 = tpu.memref_slice %arg4[%add3A_35] : memref<320000xi32, #tpu.memory_space<hbm>> -> memref<2000xi32, #tpu.memory_space<hbm>>
        %dma_wait3A_226 = arith.constant 0 : i32
        %dma_wait3A_227 = tpu.memref_slice %arg6[%dma_wait3A_226] : memref<2048xi32, #tpu.memory_space<vmem>> -> memref<2000xi32, #tpu.memory_space<vmem>>
        %dma_wait3A_228 = tpu.memref_slice %arg4[%add3A_35] : memref<320000xi32, #tpu.memory_space<hbm>> -> memref<2000xi32, #tpu.memory_space<hbm>>
        tpu.wait_dma2 semaphore(%run_scoped3A : memref<!tpu.dma_semaphore, #tpu.memory_space<semaphore_mem>>) src(%dma_wait3A_228 : memref<2000xi32, #tpu.memory_space<hbm>>) dst(%dma_wait3A_227 : memref<2000xi32, #tpu.memory_space<vmem>>)
        tpu.yield
      }) : () -> ()
      "tpu.region"() ({
        %run_scoped3A = tpu.sem_alloc : memref<!tpu.dma_semaphore, #tpu.memory_space<semaphore_mem>>
        %dma_start3A_217 = arith.constant 0 : i32
        %dma_start3A_218 = tpu.memref_slice %arg7[%dma_start3A_217] : memref<2048xi32, #tpu.memory_space<vmem>> -> memref<2000xi32, #tpu.memory_space<vmem>>
        %dma_start3A_219 = tpu.memref_slice %arg3[%add3A_35] : memref<320000xi32, #tpu.memory_space<hbm>> -> memref<2000xi32, #tpu.memory_space<hbm>>
        %dma_start3A_220 = arith.constant 0 : i32
        %dma_start3A_221 = tpu.memref_slice %arg7[%dma_start3A_220] : memref<2048xi32, #tpu.memory_space<vmem>> -> memref<2000xi32, #tpu.memory_space<vmem>>
        %dma_start3A_222 = tpu.memref_slice %arg3[%add3A_35] : memref<320000xi32, #tpu.memory_space<hbm>> -> memref<2000xi32, #tpu.memory_space<hbm>>
        tpu.enqueue_dma source(%dma_start3A_222 : memref<2000xi32, #tpu.memory_space<hbm>>) target(%dma_start3A_221 : memref<2000xi32, #tpu.memory_space<vmem>>) target_semaphore(%run_scoped3A : memref<!tpu.dma_semaphore, #tpu.memory_space<semaphore_mem>>)
        %dma_wait3A_223 = arith.constant 0 : i32
        %dma_wait3A_224 = tpu.memref_slice %arg7[%dma_wait3A_223] : memref<2048xi32, #tpu.memory_space<vmem>> -> memref<2000xi32, #tpu.memory_space<vmem>>
        %dma_wait3A_225 = tpu.memref_slice %arg3[%add3A_35] : memref<320000xi32, #tpu.memory_space<hbm>> -> memref<2000xi32, #tpu.memory_space<hbm>>
        %dma_wait3A_226 = arith.constant 0 : i32
        %dma_wait3A_227 = tpu.memref_slice %arg7[%dma_wait3A_226] : memref<2048xi32, #tpu.memory_space<vmem>> -> memref<2000xi32, #tpu.memory_space<vmem>>
        %dma_wait3A_228 = tpu.memref_slice %arg3[%add3A_35] : memref<320000xi32, #tpu.memory_space<hbm>> -> memref<2000xi32, #tpu.memory_space<hbm>>
        tpu.wait_dma2 semaphore(%run_scoped3A : memref<!tpu.dma_semaphore, #tpu.memory_space<semaphore_mem>>) src(%dma_wait3A_228 : memref<2000xi32, #tpu.memory_space<hbm>>) dst(%dma_wait3A_227 : memref<2000xi32, #tpu.memory_space<vmem>>)
        tpu.yield
      }) : () -> ()
      %swap3A = arith.constant 2000 : index
      %swap3A_36 = tpu.vector_load %arg6[%swap3A] {strides = array<i32>} : memref<2048xi32, #tpu.memory_space<vmem>>, vector<16xi32>,
      %swap3A_37 = vector.shape_cast %swap3A_36 : vector<16xi32> to vector<16xi32>
      %swap3A_38 = vector.shape_cast %broadcast_in_dim3A_22 : vector<16xi32> to vector<16xi32>
      tpu.vector_store %arg6[%swap3A], %swap3A_38 {strides = array<i32>} : memref<2048xi32, #tpu.memory_space<vmem>>, vector<16xi32>,
      %swap3A_39 = arith.constant 2000 : index
      %swap3A_40 = tpu.vector_load %arg7[%swap3A_39] {strides = array<i32>} : memref<2048xi32, #tpu.memory_space<vmem>>, vector<16xi32>,
      %swap3A_41 = vector.shape_cast %swap3A_40 : vector<16xi32> to vector<16xi32>
      %swap3A_42 = vector.shape_cast %broadcast_in_dim3A_24 : vector<16xi32> to vector<16xi32>
      tpu.vector_store %arg7[%swap3A_39], %swap3A_42 {strides = array<i32>} : memref<2048xi32, #tpu.memory_space<vmem>>, vector<16xi32>,
      %swap3A_43 = arith.constant 2016 : index
      %swap3A_44 = tpu.vector_load %arg6[%swap3A_43] {strides = array<i32>} : memref<2048xi32, #tpu.memory_space<vmem>>, vector<16xi32>,
      %swap3A_45 = vector.shape_cast %swap3A_44 : vector<16xi32> to vector<16xi32>
      %swap3A_46 = vector.shape_cast %broadcast_in_dim3A_22 : vector<16xi32> to vector<16xi32>
      tpu.vector_store %arg6[%swap3A_43], %swap3A_46 {strides = array<i32>} : memref<2048xi32, #tpu.memory_space<vmem>>, vector<16xi32>,
      %swap3A_47 = arith.constant 2016 : index
      %swap3A_48 = tpu.vector_load %arg7[%swap3A_47] {strides = array<i32>} : memref<2048xi32, #tpu.memory_space<vmem>>, vector<16xi32>,
      %swap3A_49 = vector.shape_cast %swap3A_48 : vector<16xi32> to vector<16xi32>
      %swap3A_50 = vector.shape_cast %broadcast_in_dim3A_24 : vector<16xi32> to vector<16xi32>
      tpu.vector_store %arg7[%swap3A_47], %swap3A_50 {strides = array<i32>} : memref<2048xi32, #tpu.memory_space<vmem>>, vector<16xi32>,
      %swap3A_51 = arith.constant 2032 : index
      %swap3A_52 = tpu.vector_load %arg6[%swap3A_51] {strides = array<i32>} : memref<2048xi32, #tpu.memory_space<vmem>>, vector<16xi32>,
      %swap3A_53 = vector.shape_cast %swap3A_52 : vector<16xi32> to vector<16xi32>
      %swap3A_54 = vector.shape_cast %broadcast_in_dim3A_22 : vector<16xi32> to vector<16xi32>
      tpu.vector_store %arg6[%swap3A_51], %swap3A_54 {strides = array<i32>} : memref<2048xi32, #tpu.memory_space<vmem>>, vector<16xi32>,
      %swap3A_55 = arith.constant 2032 : index
      %swap3A_56 = tpu.vector_load %arg7[%swap3A_55] {strides = array<i32>} : memref<2048xi32, #tpu.memory_space<vmem>>, vector<16xi32>,
      %swap3A_57 = vector.shape_cast %swap3A_56 : vector<16xi32> to vector<16xi32>
      %swap3A_58 = vector.shape_cast %broadcast_in_dim3A_24 : vector<16xi32> to vector<16xi32>
      tpu.vector_store %arg7[%swap3A_55], %swap3A_58 {strides = array<i32>} : memref<2048xi32, #tpu.memory_space<vmem>>, vector<16xi32>,
      %dma_start3A = arith.constant 0 : i32
      %dma_start3A_59 = tpu.memref_slice %arg7[%dma_start3A] : memref<2048xi32, #tpu.memory_space<vmem>> -> memref<128xi32, #tpu.memory_space<vmem>>
      %dma_start3A_60 = arith.constant 0 : i32
      %dma_start3A_61 = arith.constant 0 : i32
      %dma_start3A_62 = tpu.memref_slice %arg2[%dma_start3A_60, %dma_start3A_61] : memref<160000x128xf32, #tpu.memory_space<hbm>> -> memref<160000x128xf32, #tpu.memory_space<hbm>>
      tpu.enqueue_indirect_dma source(%dma_start3A_62 : memref<160000x128xf32, #tpu.memory_space<hbm>>) target(%arg8 : memref<128x128xf32, #tpu.memory_space<vmem>>) offsets(%dma_start3A_59 : memref<128xi32, #tpu.memory_space<vmem>>) semaphore(%arg11 : memref<!tpu.dma_semaphore, #tpu.memory_space<semaphore_mem>>)
      %dma_start3A_63 = arith.constant 128 : i32
      %dma_start3A_64 = tpu.memref_slice %arg7[%dma_start3A_63] : memref<2048xi32, #tpu.memory_space<vmem>> -> memref<128xi32, #tpu.memory_space<vmem>>
      %dma_start3A_65 = arith.constant 0 : i32
      %dma_start3A_66 = arith.constant 0 : i32
      %dma_start3A_67 = tpu.memref_slice %arg2[%dma_start3A_65, %dma_start3A_66] : memref<160000x128xf32, #tpu.memory_space<hbm>> -> memref<160000x128xf32, #tpu.memory_space<hbm>>
      tpu.enqueue_indirect_dma source(%dma_start3A_67 : memref<160000x128xf32, #tpu.memory_space<hbm>>) target(%arg9 : memref<128x128xf32, #tpu.memory_space<vmem>>) offsets(%dma_start3A_64 : memref<128xi32, #tpu.memory_space<vmem>>) semaphore(%arg12 : memref<!tpu.dma_semaphore, #tpu.memory_space<semaphore_mem>>)
      %dma_wait3A = arith.constant 0 : i32
      %dma_wait3A_68 = tpu.memref_slice %arg7[%dma_wait3A] : memref<2048xi32, #tpu.memory_space<vmem>> -> memref<128xi32, #tpu.memory_space<vmem>>
      %dma_wait3A_69 = arith.constant 0 : i32
      %dma_wait3A_70 = arith.constant 0 : i32
      %dma_wait3A_71 = tpu.memref_slice %arg2[%dma_wait3A_69, %dma_wait3A_70] : memref<160000x128xf32, #tpu.memory_space<hbm>> -> memref<160000x128xf32, #tpu.memory_space<hbm>>
      tpu.wait_indirect_dma semaphore(%arg11 : memref<!tpu.dma_semaphore, #tpu.memory_space<semaphore_mem>>) src(%dma_wait3A_71 : memref<160000x128xf32, #tpu.memory_space<hbm>>) dst(%arg8 : memref<128x128xf32, #tpu.memory_space<vmem>>)
      "tpu.region"() ({
        %run_scoped3A = tpu.sem_alloc : memref<!tpu.dma_semaphore, #tpu.memory_space<semaphore_mem>>
        %dma_start3A_217 = arith.constant 0 : i32
        %dma_start3A_218 = tpu.memref_slice %arg6[%dma_start3A_217] : memref<2048xi32, #tpu.memory_space<vmem>> -> memref<128xi32, #tpu.memory_space<vmem>>
        %dma_start3A_219 = arith.constant 0 : i32
        %dma_start3A_220 = arith.constant 0 : i32
        %dma_start3A_221 = tpu.memref_slice %arg10[%dma_start3A_219, %dma_start3A_220] : memref<10240x128xf32, #tpu.memory_space<vmem_shared>> -> memref<10240x128xf32, #tpu.memory_space<vmem_shared>>
        tpu.enqueue_indirect_dma source(%arg8 : memref<128x128xf32, #tpu.memory_space<vmem>>) target(%dma_start3A_221 : memref<10240x128xf32, #tpu.memory_space<vmem_shared>>) offsets(%dma_start3A_218 : memref<128xi32, #tpu.memory_space<vmem>>) semaphore(%run_scoped3A : memref<!tpu.dma_semaphore, #tpu.memory_space<semaphore_mem>>) {add = true}
        %dma_wait3A_222 = arith.constant 0 : i32
        %dma_wait3A_223 = tpu.memref_slice %arg6[%dma_wait3A_222] : memref<2048xi32, #tpu.memory_space<vmem>> -> memref<128xi32, #tpu.memory_space<vmem>>
        %dma_wait3A_224 = arith.constant 0 : i32
        %dma_wait3A_225 = arith.constant 0 : i32
        %dma_wait3A_226 = tpu.memref_slice %arg10[%dma_wait3A_224, %dma_wait3A_225] : memref<10240x128xf32, #tpu.memory_space<vmem_shared>> -> memref<10240x128xf32, #tpu.memory_space<vmem_shared>>
        tpu.wait_indirect_dma semaphore(%run_scoped3A : memref<!tpu.dma_semaphore, #tpu.memory_space<semaphore_mem>>) src(%arg8 : memref<128x128xf32, #tpu.memory_space<vmem>>) dst(%dma_wait3A_226 : memref<10240x128xf32, #tpu.memory_space<vmem_shared>>)
        tpu.yield
      }) : () -> ()
      %dma_start3A_72 = arith.constant 256 : i32
      %dma_start3A_73 = tpu.memref_slice %arg7[%dma_start3A_72] : memref<2048xi32, #tpu.memory_space<vmem>> -> memref<128xi32, #tpu.memory_space<vmem>>
      %dma_start3A_74 = arith.constant 0 : i32
      %dma_start3A_75 = arith.constant 0 : i32
      %dma_start3A_76 = tpu.memref_slice %arg2[%dma_start3A_74, %dma_start3A_75] : memref<160000x128xf32, #tpu.memory_space<hbm>> -> memref<160000x128xf32, #tpu.memory_space<hbm>>
      tpu.enqueue_indirect_dma source(%dma_start3A_76 : memref<160000x128xf32, #tpu.memory_space<hbm>>) target(%arg8 : memref<128x128xf32, #tpu.memory_space<vmem>>) offsets(%dma_start3A_73 : memref<128xi32, #tpu.memory_space<vmem>>) semaphore(%arg11 : memref<!tpu.dma_semaphore, #tpu.memory_space<semaphore_mem>>)
      %dma_wait3A_77 = arith.constant 128 : i32
      %dma_wait3A_78 = tpu.memref_slice %arg7[%dma_wait3A_77] : memref<2048xi32, #tpu.memory_space<vmem>> -> memref<128xi32, #tpu.memory_space<vmem>>
      %dma_wait3A_79 = arith.constant 0 : i32
      %dma_wait3A_80 = arith.constant 0 : i32
      %dma_wait3A_81 = tpu.memref_slice %arg2[%dma_wait3A_79, %dma_wait3A_80] : memref<160000x128xf32, #tpu.memory_space<hbm>> -> memref<160000x128xf32, #tpu.memory_space<hbm>>
      tpu.wait_indirect_dma semaphore(%arg12 : memref<!tpu.dma_semaphore, #tpu.memory_space<semaphore_mem>>) src(%dma_wait3A_81 : memref<160000x128xf32, #tpu.memory_space<hbm>>) dst(%arg9 : memref<128x128xf32, #tpu.memory_space<vmem>>)
      "tpu.region"() ({
        %run_scoped3A = tpu.sem_alloc : memref<!tpu.dma_semaphore, #tpu.memory_space<semaphore_mem>>
        %dma_start3A_217 = arith.constant 128 : i32
        %dma_start3A_218 = tpu.memref_slice %arg6[%dma_start3A_217] : memref<2048xi32, #tpu.memory_space<vmem>> -> memref<128xi32, #tpu.memory_space<vmem>>
        %dma_start3A_219 = arith.constant 0 : i32
        %dma_start3A_220 = arith.constant 0 : i32
        %dma_start3A_221 = tpu.memref_slice %arg10[%dma_start3A_219, %dma_start3A_220] : memref<10240x128xf32, #tpu.memory_space<vmem_shared>> -> memref<10240x128xf32, #tpu.memory_space<vmem_shared>>
        tpu.enqueue_indirect_dma source(%arg9 : memref<128x128xf32, #tpu.memory_space<vmem>>) target(%dma_start3A_221 : memref<10240x128xf32, #tpu.memory_space<vmem_shared>>) offsets(%dma_start3A_218 : memref<128xi32, #tpu.memory_space<vmem>>) semaphore(%run_scoped3A : memref<!tpu.dma_semaphore, #tpu.memory_space<semaphore_mem>>) {add = true}
        %dma_wait3A_222 = arith.constant 128 : i32
        %dma_wait3A_223 = tpu.memref_slice %arg6[%dma_wait3A_222] : memref<2048xi32, #tpu.memory_space<vmem>> -> memref<128xi32, #tpu.memory_space<vmem>>
        %dma_wait3A_224 = arith.constant 0 : i32
        %dma_wait3A_225 = arith.constant 0 : i32
        %dma_wait3A_226 = tpu.memref_slice %arg10[%dma_wait3A_224, %dma_wait3A_225] : memref<10240x128xf32, #tpu.memory_space<vmem_shared>> -> memref<10240x128xf32, #tpu.memory_space<vmem_shared>>
        tpu.wait_indirect_dma semaphore(%run_scoped3A : memref<!tpu.dma_semaphore, #tpu.memory_space<semaphore_mem>>) src(%arg9 : memref<128x128xf32, #tpu.memory_space<vmem>>) dst(%dma_wait3A_226 : memref<10240x128xf32, #tpu.memory_space<vmem_shared>>)
        tpu.yield
      }) : () -> ()
      %dma_start3A_82 = arith.constant 384 : i32
      %dma_start3A_83 = tpu.memref_slice %arg7[%dma_start3A_82] : memref<2048xi32, #tpu.memory_space<vmem>> -> memref<128xi32, #tpu.memory_space<vmem>>
      %dma_start3A_84 = arith.constant 0 : i32
      %dma_start3A_85 = arith.constant 0 : i32
      %dma_start3A_86 = tpu.memref_slice %arg2[%dma_start3A_84, %dma_start3A_85] : memref<160000x128xf32, #tpu.memory_space<hbm>> -> memref<160000x128xf32, #tpu.memory_space<hbm>>
      tpu.enqueue_indirect_dma source(%dma_start3A_86 : memref<160000x128xf32, #tpu.memory_space<hbm>>) target(%arg9 : memref<128x128xf32, #tpu.memory_space<vmem>>) offsets(%dma_start3A_83 : memref<128xi32, #tpu.memory_space<vmem>>) semaphore(%arg12 : memref<!tpu.dma_semaphore, #tpu.memory_space<semaphore_mem>>)
      %dma_wait3A_87 = arith.constant 256 : i32
      %dma_wait3A_88 = tpu.memref_slice %arg7[%dma_wait3A_87] : memref<2048xi32, #tpu.memory_space<vmem>> -> memref<128xi32, #tpu.memory_space<vmem>>
      %dma_wait3A_89 = arith.constant 0 : i32
      %dma_wait3A_90 = arith.constant 0 : i32
      %dma_wait3A_91 = tpu.memref_slice %arg2[%dma_wait3A_89, %dma_wait3A_90] : memref<160000x128xf32, #tpu.memory_space<hbm>> -> memref<160000x128xf32, #tpu.memory_space<hbm>>
      tpu.wait_indirect_dma semaphore(%arg11 : memref<!tpu.dma_semaphore, #tpu.memory_space<semaphore_mem>>) src(%dma_wait3A_91 : memref<160000x128xf32, #tpu.memory_space<hbm>>) dst(%arg8 : memref<128x128xf32, #tpu.memory_space<vmem>>)
      "tpu.region"() ({
        %run_scoped3A = tpu.sem_alloc : memref<!tpu.dma_semaphore, #tpu.memory_space<semaphore_mem>>
        %dma_start3A_217 = arith.constant 256 : i32
        %dma_start3A_218 = tpu.memref_slice %arg6[%dma_start3A_217] : memref<2048xi32, #tpu.memory_space<vmem>> -> memref<128xi32, #tpu.memory_space<vmem>>
        %dma_start3A_219 = arith.constant 0 : i32
        %dma_start3A_220 = arith.constant 0 : i32
        %dma_start3A_221 = tpu.memref_slice %arg10[%dma_start3A_219, %dma_start3A_220] : memref<10240x128xf32, #tpu.memory_space<vmem_shared>> -> memref<10240x128xf32, #tpu.memory_space<vmem_shared>>
        tpu.enqueue_indirect_dma source(%arg8 : memref<128x128xf32, #tpu.memory_space<vmem>>) target(%dma_start3A_221 : memref<10240x128xf32, #tpu.memory_space<vmem_shared>>) offsets(%dma_start3A_218 : memref<128xi32, #tpu.memory_space<vmem>>) semaphore(%run_scoped3A : memref<!tpu.dma_semaphore, #tpu.memory_space<semaphore_mem>>) {add = true}
        %dma_wait3A_222 = arith.constant 256 : i32
        %dma_wait3A_223 = tpu.memref_slice %arg6[%dma_wait3A_222] : memref<2048xi32, #tpu.memory_space<vmem>> -> memref<128xi32, #tpu.memory_space<vmem>>
        %dma_wait3A_224 = arith.constant 0 : i32
        %dma_wait3A_225 = arith.constant 0 : i32
        %dma_wait3A_226 = tpu.memref_slice %arg10[%dma_wait3A_224, %dma_wait3A_225] : memref<10240x128xf32, #tpu.memory_space<vmem_shared>> -> memref<10240x128xf32, #tpu.memory_space<vmem_shared>>
        tpu.wait_indirect_dma semaphore(%run_scoped3A : memref<!tpu.dma_semaphore, #tpu.memory_space<semaphore_mem>>) src(%arg8 : memref<128x128xf32, #tpu.memory_space<vmem>>) dst(%dma_wait3A_226 : memref<10240x128xf32, #tpu.memory_space<vmem_shared>>)
        tpu.yield
      }) : () -> ()
      %dma_start3A_92 = arith.constant 512 : i32
      %dma_start3A_93 = tpu.memref_slice %arg7[%dma_start3A_92] : memref<2048xi32, #tpu.memory_space<vmem>> -> memref<128xi32, #tpu.memory_space<vmem>>
      %dma_start3A_94 = arith.constant 0 : i32
      %dma_start3A_95 = arith.constant 0 : i32
      %dma_start3A_96 = tpu.memref_slice %arg2[%dma_start3A_94, %dma_start3A_95] : memref<160000x128xf32, #tpu.memory_space<hbm>> -> memref<160000x128xf32, #tpu.memory_space<hbm>>
      tpu.enqueue_indirect_dma source(%dma_start3A_96 : memref<160000x128xf32, #tpu.memory_space<hbm>>) target(%arg8 : memref<128x128xf32, #tpu.memory_space<vmem>>) offsets(%dma_start3A_93 : memref<128xi32, #tpu.memory_space<vmem>>) semaphore(%arg11 : memref<!tpu.dma_semaphore, #tpu.memory_space<semaphore_mem>>)
      %dma_wait3A_97 = arith.constant 384 : i32
      %dma_wait3A_98 = tpu.memref_slice %arg7[%dma_wait3A_97] : memref<2048xi32, #tpu.memory_space<vmem>> -> memref<128xi32, #tpu.memory_space<vmem>>
      %dma_wait3A_99 = arith.constant 0 : i32
      %dma_wait3A_100 = arith.constant 0 : i32
      %dma_wait3A_101 = tpu.memref_slice %arg2[%dma_wait3A_99, %dma_wait3A_100] : memref<160000x128xf32, #tpu.memory_space<hbm>> -> memref<160000x128xf32, #tpu.memory_space<hbm>>
      tpu.wait_indirect_dma semaphore(%arg12 : memref<!tpu.dma_semaphore, #tpu.memory_space<semaphore_mem>>) src(%dma_wait3A_101 : memref<160000x128xf32, #tpu.memory_space<hbm>>) dst(%arg9 : memref<128x128xf32, #tpu.memory_space<vmem>>)
      "tpu.region"() ({
        %run_scoped3A = tpu.sem_alloc : memref<!tpu.dma_semaphore, #tpu.memory_space<semaphore_mem>>
        %dma_start3A_217 = arith.constant 384 : i32
        %dma_start3A_218 = tpu.memref_slice %arg6[%dma_start3A_217] : memref<2048xi32, #tpu.memory_space<vmem>> -> memref<128xi32, #tpu.memory_space<vmem>>
        %dma_start3A_219 = arith.constant 0 : i32
        %dma_start3A_220 = arith.constant 0 : i32
        %dma_start3A_221 = tpu.memref_slice %arg10[%dma_start3A_219, %dma_start3A_220] : memref<10240x128xf32, #tpu.memory_space<vmem_shared>> -> memref<10240x128xf32, #tpu.memory_space<vmem_shared>>
        tpu.enqueue_indirect_dma source(%arg9 : memref<128x128xf32, #tpu.memory_space<vmem>>) target(%dma_start3A_221 : memref<10240x128xf32, #tpu.memory_space<vmem_shared>>) offsets(%dma_start3A_218 : memref<128xi32, #tpu.memory_space<vmem>>) semaphore(%run_scoped3A : memref<!tpu.dma_semaphore, #tpu.memory_space<semaphore_mem>>) {add = true}
        %dma_wait3A_222 = arith.constant 384 : i32
        %dma_wait3A_223 = tpu.memref_slice %arg6[%dma_wait3A_222] : memref<2048xi32, #tpu.memory_space<vmem>> -> memref<128xi32, #tpu.memory_space<vmem>>
        %dma_wait3A_224 = arith.constant 0 : i32
        %dma_wait3A_225 = arith.constant 0 : i32
        %dma_wait3A_226 = tpu.memref_slice %arg10[%dma_wait3A_224, %dma_wait3A_225] : memref<10240x128xf32, #tpu.memory_space<vmem_shared>> -> memref<10240x128xf32, #tpu.memory_space<vmem_shared>>
        tpu.wait_indirect_dma semaphore(%run_scoped3A : memref<!tpu.dma_semaphore, #tpu.memory_space<semaphore_mem>>) src(%arg9 : memref<128x128xf32, #tpu.memory_space<vmem>>) dst(%dma_wait3A_226 : memref<10240x128xf32, #tpu.memory_space<vmem_shared>>)
        tpu.yield
      }) : () -> ()
      %dma_start3A_102 = arith.constant 640 : i32
      %dma_start3A_103 = tpu.memref_slice %arg7[%dma_start3A_102] : memref<2048xi32, #tpu.memory_space<vmem>> -> memref<128xi32, #tpu.memory_space<vmem>>
      %dma_start3A_104 = arith.constant 0 : i32
      %dma_start3A_105 = arith.constant 0 : i32
      %dma_start3A_106 = tpu.memref_slice %arg2[%dma_start3A_104, %dma_start3A_105] : memref<160000x128xf32, #tpu.memory_space<hbm>> -> memref<160000x128xf32, #tpu.memory_space<hbm>>
      tpu.enqueue_indirect_dma source(%dma_start3A_106 : memref<160000x128xf32, #tpu.memory_space<hbm>>) target(%arg9 : memref<128x128xf32, #tpu.memory_space<vmem>>) offsets(%dma_start3A_103 : memref<128xi32, #tpu.memory_space<vmem>>) semaphore(%arg12 : memref<!tpu.dma_semaphore, #tpu.memory_space<semaphore_mem>>)
      %dma_wait3A_107 = arith.constant 512 : i32
      %dma_wait3A_108 = tpu.memref_slice %arg7[%dma_wait3A_107] : memref<2048xi32, #tpu.memory_space<vmem>> -> memref<128xi32, #tpu.memory_space<vmem>>
      %dma_wait3A_109 = arith.constant 0 : i32
      %dma_wait3A_110 = arith.constant 0 : i32
      %dma_wait3A_111 = tpu.memref_slice %arg2[%dma_wait3A_109, %dma_wait3A_110] : memref<160000x128xf32, #tpu.memory_space<hbm>> -> memref<160000x128xf32, #tpu.memory_space<hbm>>
      tpu.wait_indirect_dma semaphore(%arg11 : memref<!tpu.dma_semaphore, #tpu.memory_space<semaphore_mem>>) src(%dma_wait3A_111 : memref<160000x128xf32, #tpu.memory_space<hbm>>) dst(%arg8 : memref<128x128xf32, #tpu.memory_space<vmem>>)
      "tpu.region"() ({
        %run_scoped3A = tpu.sem_alloc : memref<!tpu.dma_semaphore, #tpu.memory_space<semaphore_mem>>
        %dma_start3A_217 = arith.constant 512 : i32
        %dma_start3A_218 = tpu.memref_slice %arg6[%dma_start3A_217] : memref<2048xi32, #tpu.memory_space<vmem>> -> memref<128xi32, #tpu.memory_space<vmem>>
        %dma_start3A_219 = arith.constant 0 : i32
        %dma_start3A_220 = arith.constant 0 : i32
        %dma_start3A_221 = tpu.memref_slice %arg10[%dma_start3A_219, %dma_start3A_220] : memref<10240x128xf32, #tpu.memory_space<vmem_shared>> -> memref<10240x128xf32, #tpu.memory_space<vmem_shared>>
        tpu.enqueue_indirect_dma source(%arg8 : memref<128x128xf32, #tpu.memory_space<vmem>>) target(%dma_start3A_221 : memref<10240x128xf32, #tpu.memory_space<vmem_shared>>) offsets(%dma_start3A_218 : memref<128xi32, #tpu.memory_space<vmem>>) semaphore(%run_scoped3A : memref<!tpu.dma_semaphore, #tpu.memory_space<semaphore_mem>>) {add = true}
        %dma_wait3A_222 = arith.constant 512 : i32
        %dma_wait3A_223 = tpu.memref_slice %arg6[%dma_wait3A_222] : memref<2048xi32, #tpu.memory_space<vmem>> -> memref<128xi32, #tpu.memory_space<vmem>>
        %dma_wait3A_224 = arith.constant 0 : i32
        %dma_wait3A_225 = arith.constant 0 : i32
        %dma_wait3A_226 = tpu.memref_slice %arg10[%dma_wait3A_224, %dma_wait3A_225] : memref<10240x128xf32, #tpu.memory_space<vmem_shared>> -> memref<10240x128xf32, #tpu.memory_space<vmem_shared>>
        tpu.wait_indirect_dma semaphore(%run_scoped3A : memref<!tpu.dma_semaphore, #tpu.memory_space<semaphore_mem>>) src(%arg8 : memref<128x128xf32, #tpu.memory_space<vmem>>) dst(%dma_wait3A_226 : memref<10240x128xf32, #tpu.memory_space<vmem_shared>>)
        tpu.yield
      }) : () -> ()
      %dma_start3A_112 = arith.constant 768 : i32
      %dma_start3A_113 = tpu.memref_slice %arg7[%dma_start3A_112] : memref<2048xi32, #tpu.memory_space<vmem>> -> memref<128xi32, #tpu.memory_space<vmem>>
      %dma_start3A_114 = arith.constant 0 : i32
      %dma_start3A_115 = arith.constant 0 : i32
      %dma_start3A_116 = tpu.memref_slice %arg2[%dma_start3A_114, %dma_start3A_115] : memref<160000x128xf32, #tpu.memory_space<hbm>> -> memref<160000x128xf32, #tpu.memory_space<hbm>>
      tpu.enqueue_indirect_dma source(%dma_start3A_116 : memref<160000x128xf32, #tpu.memory_space<hbm>>) target(%arg8 : memref<128x128xf32, #tpu.memory_space<vmem>>) offsets(%dma_start3A_113 : memref<128xi32, #tpu.memory_space<vmem>>) semaphore(%arg11 : memref<!tpu.dma_semaphore, #tpu.memory_space<semaphore_mem>>)
      %dma_wait3A_117 = arith.constant 640 : i32
      %dma_wait3A_118 = tpu.memref_slice %arg7[%dma_wait3A_117] : memref<2048xi32, #tpu.memory_space<vmem>> -> memref<128xi32, #tpu.memory_space<vmem>>
      %dma_wait3A_119 = arith.constant 0 : i32
      %dma_wait3A_120 = arith.constant 0 : i32
      %dma_wait3A_121 = tpu.memref_slice %arg2[%dma_wait3A_119, %dma_wait3A_120] : memref<160000x128xf32, #tpu.memory_space<hbm>> -> memref<160000x128xf32, #tpu.memory_space<hbm>>
      tpu.wait_indirect_dma semaphore(%arg12 : memref<!tpu.dma_semaphore, #tpu.memory_space<semaphore_mem>>) src(%dma_wait3A_121 : memref<160000x128xf32, #tpu.memory_space<hbm>>) dst(%arg9 : memref<128x128xf32, #tpu.memory_space<vmem>>)
      "tpu.region"() ({
        %run_scoped3A = tpu.sem_alloc : memref<!tpu.dma_semaphore, #tpu.memory_space<semaphore_mem>>
        %dma_start3A_217 = arith.constant 640 : i32
        %dma_start3A_218 = tpu.memref_slice %arg6[%dma_start3A_217] : memref<2048xi32, #tpu.memory_space<vmem>> -> memref<128xi32, #tpu.memory_space<vmem>>
        %dma_start3A_219 = arith.constant 0 : i32
        %dma_start3A_220 = arith.constant 0 : i32
        %dma_start3A_221 = tpu.memref_slice %arg10[%dma_start3A_219, %dma_start3A_220] : memref<10240x128xf32, #tpu.memory_space<vmem_shared>> -> memref<10240x128xf32, #tpu.memory_space<vmem_shared>>
        tpu.enqueue_indirect_dma source(%arg9 : memref<128x128xf32, #tpu.memory_space<vmem>>) target(%dma_start3A_221 : memref<10240x128xf32, #tpu.memory_space<vmem_shared>>) offsets(%dma_start3A_218 : memref<128xi32, #tpu.memory_space<vmem>>) semaphore(%run_scoped3A : memref<!tpu.dma_semaphore, #tpu.memory_space<semaphore_mem>>) {add = true}
        %dma_wait3A_222 = arith.constant 640 : i32
        %dma_wait3A_223 = tpu.memref_slice %arg6[%dma_wait3A_222] : memref<2048xi32, #tpu.memory_space<vmem>> -> memref<128xi32, #tpu.memory_space<vmem>>
        %dma_wait3A_224 = arith.constant 0 : i32
        %dma_wait3A_225 = arith.constant 0 : i32
        %dma_wait3A_226 = tpu.memref_slice %arg10[%dma_wait3A_224, %dma_wait3A_225] : memref<10240x128xf32, #tpu.memory_space<vmem_shared>> -> memref<10240x128xf32, #tpu.memory_space<vmem_shared>>
        tpu.wait_indirect_dma semaphore(%run_scoped3A : memref<!tpu.dma_semaphore, #tpu.memory_space<semaphore_mem>>) src(%arg9 : memref<128x128xf32, #tpu.memory_space<vmem>>) dst(%dma_wait3A_226 : memref<10240x128xf32, #tpu.memory_space<vmem_shared>>)
        tpu.yield
      }) : () -> ()
      %dma_start3A_122 = arith.constant 896 : i32
      %dma_start3A_123 = tpu.memref_slice %arg7[%dma_start3A_122] : memref<2048xi32, #tpu.memory_space<vmem>> -> memref<128xi32, #tpu.memory_space<vmem>>
      %dma_start3A_124 = arith.constant 0 : i32
      %dma_start3A_125 = arith.constant 0 : i32
      %dma_start3A_126 = tpu.memref_slice %arg2[%dma_start3A_124, %dma_start3A_125] : memref<160000x128xf32, #tpu.memory_space<hbm>> -> memref<160000x128xf32, #tpu.memory_space<hbm>>
      tpu.enqueue_indirect_dma source(%dma_start3A_126 : memref<160000x128xf32, #tpu.memory_space<hbm>>) target(%arg9 : memref<128x128xf32, #tpu.memory_space<vmem>>) offsets(%dma_start3A_123 : memref<128xi32, #tpu.memory_space<vmem>>) semaphore(%arg12 : memref<!tpu.dma_semaphore, #tpu.memory_space<semaphore_mem>>)
      %dma_wait3A_127 = arith.constant 768 : i32
      %dma_wait3A_128 = tpu.memref_slice %arg7[%dma_wait3A_127] : memref<2048xi32, #tpu.memory_space<vmem>> -> memref<128xi32, #tpu.memory_space<vmem>>
      %dma_wait3A_129 = arith.constant 0 : i32
      %dma_wait3A_130 = arith.constant 0 : i32
      %dma_wait3A_131 = tpu.memref_slice %arg2[%dma_wait3A_129, %dma_wait3A_130] : memref<160000x128xf32, #tpu.memory_space<hbm>> -> memref<160000x128xf32, #tpu.memory_space<hbm>>
      tpu.wait_indirect_dma semaphore(%arg11 : memref<!tpu.dma_semaphore, #tpu.memory_space<semaphore_mem>>) src(%dma_wait3A_131 : memref<160000x128xf32, #tpu.memory_space<hbm>>) dst(%arg8 : memref<128x128xf32, #tpu.memory_space<vmem>>)
      "tpu.region"() ({
        %run_scoped3A = tpu.sem_alloc : memref<!tpu.dma_semaphore, #tpu.memory_space<semaphore_mem>>
        %dma_start3A_217 = arith.constant 768 : i32
        %dma_start3A_218 = tpu.memref_slice %arg6[%dma_start3A_217] : memref<2048xi32, #tpu.memory_space<vmem>> -> memref<128xi32, #tpu.memory_space<vmem>>
        %dma_start3A_219 = arith.constant 0 : i32
        %dma_start3A_220 = arith.constant 0 : i32
        %dma_start3A_221 = tpu.memref_slice %arg10[%dma_start3A_219, %dma_start3A_220] : memref<10240x128xf32, #tpu.memory_space<vmem_shared>> -> memref<10240x128xf32, #tpu.memory_space<vmem_shared>>
        tpu.enqueue_indirect_dma source(%arg8 : memref<128x128xf32, #tpu.memory_space<vmem>>) target(%dma_start3A_221 : memref<10240x128xf32, #tpu.memory_space<vmem_shared>>) offsets(%dma_start3A_218 : memref<128xi32, #tpu.memory_space<vmem>>) semaphore(%run_scoped3A : memref<!tpu.dma_semaphore, #tpu.memory_space<semaphore_mem>>) {add = true}
        %dma_wait3A_222 = arith.constant 768 : i32
        %dma_wait3A_223 = tpu.memref_slice %arg6[%dma_wait3A_222] : memref<2048xi32, #tpu.memory_space<vmem>> -> memref<128xi32, #tpu.memory_space<vmem>>
        %dma_wait3A_224 = arith.constant 0 : i32
        %dma_wait3A_225 = arith.constant 0 : i32
        %dma_wait3A_226 = tpu.memref_slice %arg10[%dma_wait3A_224, %dma_wait3A_225] : memref<10240x128xf32, #tpu.memory_space<vmem_shared>> -> memref<10240x128xf32, #tpu.memory_space<vmem_shared>>
        tpu.wait_indirect_dma semaphore(%run_scoped3A : memref<!tpu.dma_semaphore, #tpu.memory_space<semaphore_mem>>) src(%arg8 : memref<128x128xf32, #tpu.memory_space<vmem>>) dst(%dma_wait3A_226 : memref<10240x128xf32, #tpu.memory_space<vmem_shared>>)
        tpu.yield
      }) : () -> ()
      %dma_start3A_132 = arith.constant 1024 : i32
      %dma_start3A_133 = tpu.memref_slice %arg7[%dma_start3A_132] : memref<2048xi32, #tpu.memory_space<vmem>> -> memref<128xi32, #tpu.memory_space<vmem>>
      %dma_start3A_134 = arith.constant 0 : i32
      %dma_start3A_135 = arith.constant 0 : i32
      %dma_start3A_136 = tpu.memref_slice %arg2[%dma_start3A_134, %dma_start3A_135] : memref<160000x128xf32, #tpu.memory_space<hbm>> -> memref<160000x128xf32, #tpu.memory_space<hbm>>
      tpu.enqueue_indirect_dma source(%dma_start3A_136 : memref<160000x128xf32, #tpu.memory_space<hbm>>) target(%arg8 : memref<128x128xf32, #tpu.memory_space<vmem>>) offsets(%dma_start3A_133 : memref<128xi32, #tpu.memory_space<vmem>>) semaphore(%arg11 : memref<!tpu.dma_semaphore, #tpu.memory_space<semaphore_mem>>)
      %dma_wait3A_137 = arith.constant 896 : i32
      %dma_wait3A_138 = tpu.memref_slice %arg7[%dma_wait3A_137] : memref<2048xi32, #tpu.memory_space<vmem>> -> memref<128xi32, #tpu.memory_space<vmem>>
      %dma_wait3A_139 = arith.constant 0 : i32
      %dma_wait3A_140 = arith.constant 0 : i32
      %dma_wait3A_141 = tpu.memref_slice %arg2[%dma_wait3A_139, %dma_wait3A_140] : memref<160000x128xf32, #tpu.memory_space<hbm>> -> memref<160000x128xf32, #tpu.memory_space<hbm>>
      tpu.wait_indirect_dma semaphore(%arg12 : memref<!tpu.dma_semaphore, #tpu.memory_space<semaphore_mem>>) src(%dma_wait3A_141 : memref<160000x128xf32, #tpu.memory_space<hbm>>) dst(%arg9 : memref<128x128xf32, #tpu.memory_space<vmem>>)
      "tpu.region"() ({
        %run_scoped3A = tpu.sem_alloc : memref<!tpu.dma_semaphore, #tpu.memory_space<semaphore_mem>>
        %dma_start3A_217 = arith.constant 896 : i32
        %dma_start3A_218 = tpu.memref_slice %arg6[%dma_start3A_217] : memref<2048xi32, #tpu.memory_space<vmem>> -> memref<128xi32, #tpu.memory_space<vmem>>
        %dma_start3A_219 = arith.constant 0 : i32
        %dma_start3A_220 = arith.constant 0 : i32
        %dma_start3A_221 = tpu.memref_slice %arg10[%dma_start3A_219, %dma_start3A_220] : memref<10240x128xf32, #tpu.memory_space<vmem_shared>> -> memref<10240x128xf32, #tpu.memory_space<vmem_shared>>
        tpu.enqueue_indirect_dma source(%arg9 : memref<128x128xf32, #tpu.memory_space<vmem>>) target(%dma_start3A_221 : memref<10240x128xf32, #tpu.memory_space<vmem_shared>>) offsets(%dma_start3A_218 : memref<128xi32, #tpu.memory_space<vmem>>) semaphore(%run_scoped3A : memref<!tpu.dma_semaphore, #tpu.memory_space<semaphore_mem>>) {add = true}
        %dma_wait3A_222 = arith.constant 896 : i32
        %dma_wait3A_223 = tpu.memref_slice %arg6[%dma_wait3A_222] : memref<2048xi32, #tpu.memory_space<vmem>> -> memref<128xi32, #tpu.memory_space<vmem>>
        %dma_wait3A_224 = arith.constant 0 : i32
        %dma_wait3A_225 = arith.constant 0 : i32
        %dma_wait3A_226 = tpu.memref_slice %arg10[%dma_wait3A_224, %dma_wait3A_225] : memref<10240x128xf32, #tpu.memory_space<vmem_shared>> -> memref<10240x128xf32, #tpu.memory_space<vmem_shared>>
        tpu.wait_indirect_dma semaphore(%run_scoped3A : memref<!tpu.dma_semaphore, #tpu.memory_space<semaphore_mem>>) src(%arg9 : memref<128x128xf32, #tpu.memory_space<vmem>>) dst(%dma_wait3A_226 : memref<10240x128xf32, #tpu.memory_space<vmem_shared>>)
        tpu.yield
      }) : () -> ()
      %dma_start3A_142 = arith.constant 1152 : i32
      %dma_start3A_143 = tpu.memref_slice %arg7[%dma_start3A_142] : memref<2048xi32, #tpu.memory_space<vmem>> -> memref<128xi32, #tpu.memory_space<vmem>>
      %dma_start3A_144 = arith.constant 0 : i32
      %dma_start3A_145 = arith.constant 0 : i32
      %dma_start3A_146 = tpu.memref_slice %arg2[%dma_start3A_144, %dma_start3A_145] : memref<160000x128xf32, #tpu.memory_space<hbm>> -> memref<160000x128xf32, #tpu.memory_space<hbm>>
      tpu.enqueue_indirect_dma source(%dma_start3A_146 : memref<160000x128xf32, #tpu.memory_space<hbm>>) target(%arg9 : memref<128x128xf32, #tpu.memory_space<vmem>>) offsets(%dma_start3A_143 : memref<128xi32, #tpu.memory_space<vmem>>) semaphore(%arg12 : memref<!tpu.dma_semaphore, #tpu.memory_space<semaphore_mem>>)
      %dma_wait3A_147 = arith.constant 1024 : i32
      %dma_wait3A_148 = tpu.memref_slice %arg7[%dma_wait3A_147] : memref<2048xi32, #tpu.memory_space<vmem>> -> memref<128xi32, #tpu.memory_space<vmem>>
      %dma_wait3A_149 = arith.constant 0 : i32
      %dma_wait3A_150 = arith.constant 0 : i32
      %dma_wait3A_151 = tpu.memref_slice %arg2[%dma_wait3A_149, %dma_wait3A_150] : memref<160000x128xf32, #tpu.memory_space<hbm>> -> memref<160000x128xf32, #tpu.memory_space<hbm>>
      tpu.wait_indirect_dma semaphore(%arg11 : memref<!tpu.dma_semaphore, #tpu.memory_space<semaphore_mem>>) src(%dma_wait3A_151 : memref<160000x128xf32, #tpu.memory_space<hbm>>) dst(%arg8 : memref<128x128xf32, #tpu.memory_space<vmem>>)
      "tpu.region"() ({
        %run_scoped3A = tpu.sem_alloc : memref<!tpu.dma_semaphore, #tpu.memory_space<semaphore_mem>>
        %dma_start3A_217 = arith.constant 1024 : i32
        %dma_start3A_218 = tpu.memref_slice %arg6[%dma_start3A_217] : memref<2048xi32, #tpu.memory_space<vmem>> -> memref<128xi32, #tpu.memory_space<vmem>>
        %dma_start3A_219 = arith.constant 0 : i32
        %dma_start3A_220 = arith.constant 0 : i32
        %dma_start3A_221 = tpu.memref_slice %arg10[%dma_start3A_219, %dma_start3A_220] : memref<10240x128xf32, #tpu.memory_space<vmem_shared>> -> memref<10240x128xf32, #tpu.memory_space<vmem_shared>>
        tpu.enqueue_indirect_dma source(%arg8 : memref<128x128xf32, #tpu.memory_space<vmem>>) target(%dma_start3A_221 : memref<10240x128xf32, #tpu.memory_space<vmem_shared>>) offsets(%dma_start3A_218 : memref<128xi32, #tpu.memory_space<vmem>>) semaphore(%run_scoped3A : memref<!tpu.dma_semaphore, #tpu.memory_space<semaphore_mem>>) {add = true}
        %dma_wait3A_222 = arith.constant 1024 : i32
        %dma_wait3A_223 = tpu.memref_slice %arg6[%dma_wait3A_222] : memref<2048xi32, #tpu.memory_space<vmem>> -> memref<128xi32, #tpu.memory_space<vmem>>
        %dma_wait3A_224 = arith.constant 0 : i32
        %dma_wait3A_225 = arith.constant 0 : i32
        %dma_wait3A_226 = tpu.memref_slice %arg10[%dma_wait3A_224, %dma_wait3A_225] : memref<10240x128xf32, #tpu.memory_space<vmem_shared>> -> memref<10240x128xf32, #tpu.memory_space<vmem_shared>>
        tpu.wait_indirect_dma semaphore(%run_scoped3A : memref<!tpu.dma_semaphore, #tpu.memory_space<semaphore_mem>>) src(%arg8 : memref<128x128xf32, #tpu.memory_space<vmem>>) dst(%dma_wait3A_226 : memref<10240x128xf32, #tpu.memory_space<vmem_shared>>)
        tpu.yield
      }) : () -> ()
      %dma_start3A_152 = arith.constant 1280 : i32
      %dma_start3A_153 = tpu.memref_slice %arg7[%dma_start3A_152] : memref<2048xi32, #tpu.memory_space<vmem>> -> memref<128xi32, #tpu.memory_space<vmem>>
      %dma_start3A_154 = arith.constant 0 : i32
      %dma_start3A_155 = arith.constant 0 : i32
      %dma_start3A_156 = tpu.memref_slice %arg2[%dma_start3A_154, %dma_start3A_155] : memref<160000x128xf32, #tpu.memory_space<hbm>> -> memref<160000x128xf32, #tpu.memory_space<hbm>>
      tpu.enqueue_indirect_dma source(%dma_start3A_156 : memref<160000x128xf32, #tpu.memory_space<hbm>>) target(%arg8 : memref<128x128xf32, #tpu.memory_space<vmem>>) offsets(%dma_start3A_153 : memref<128xi32, #tpu.memory_space<vmem>>) semaphore(%arg11 : memref<!tpu.dma_semaphore, #tpu.memory_space<semaphore_mem>>)
      %dma_wait3A_157 = arith.constant 1152 : i32
      %dma_wait3A_158 = tpu.memref_slice %arg7[%dma_wait3A_157] : memref<2048xi32, #tpu.memory_space<vmem>> -> memref<128xi32, #tpu.memory_space<vmem>>
      %dma_wait3A_159 = arith.constant 0 : i32
      %dma_wait3A_160 = arith.constant 0 : i32
      %dma_wait3A_161 = tpu.memref_slice %arg2[%dma_wait3A_159, %dma_wait3A_160] : memref<160000x128xf32, #tpu.memory_space<hbm>> -> memref<160000x128xf32, #tpu.memory_space<hbm>>
      tpu.wait_indirect_dma semaphore(%arg12 : memref<!tpu.dma_semaphore, #tpu.memory_space<semaphore_mem>>) src(%dma_wait3A_161 : memref<160000x128xf32, #tpu.memory_space<hbm>>) dst(%arg9 : memref<128x128xf32, #tpu.memory_space<vmem>>)
      "tpu.region"() ({
        %run_scoped3A = tpu.sem_alloc : memref<!tpu.dma_semaphore, #tpu.memory_space<semaphore_mem>>
        %dma_start3A_217 = arith.constant 1152 : i32
        %dma_start3A_218 = tpu.memref_slice %arg6[%dma_start3A_217] : memref<2048xi32, #tpu.memory_space<vmem>> -> memref<128xi32, #tpu.memory_space<vmem>>
        %dma_start3A_219 = arith.constant 0 : i32
        %dma_start3A_220 = arith.constant 0 : i32
        %dma_start3A_221 = tpu.memref_slice %arg10[%dma_start3A_219, %dma_start3A_220] : memref<10240x128xf32, #tpu.memory_space<vmem_shared>> -> memref<10240x128xf32, #tpu.memory_space<vmem_shared>>
        tpu.enqueue_indirect_dma source(%arg9 : memref<128x128xf32, #tpu.memory_space<vmem>>) target(%dma_start3A_221 : memref<10240x128xf32, #tpu.memory_space<vmem_shared>>) offsets(%dma_start3A_218 : memref<128xi32, #tpu.memory_space<vmem>>) semaphore(%run_scoped3A : memref<!tpu.dma_semaphore, #tpu.memory_space<semaphore_mem>>) {add = true}
        %dma_wait3A_222 = arith.constant 1152 : i32
        %dma_wait3A_223 = tpu.memref_slice %arg6[%dma_wait3A_222] : memref<2048xi32, #tpu.memory_space<vmem>> -> memref<128xi32, #tpu.memory_space<vmem>>
        %dma_wait3A_224 = arith.constant 0 : i32
        %dma_wait3A_225 = arith.constant 0 : i32
        %dma_wait3A_226 = tpu.memref_slice %arg10[%dma_wait3A_224, %dma_wait3A_225] : memref<10240x128xf32, #tpu.memory_space<vmem_shared>> -> memref<10240x128xf32, #tpu.memory_space<vmem_shared>>
        tpu.wait_indirect_dma semaphore(%run_scoped3A : memref<!tpu.dma_semaphore, #tpu.memory_space<semaphore_mem>>) src(%arg9 : memref<128x128xf32, #tpu.memory_space<vmem>>) dst(%dma_wait3A_226 : memref<10240x128xf32, #tpu.memory_space<vmem_shared>>)
        tpu.yield
      }) : () -> ()
      %dma_start3A_162 = arith.constant 1408 : i32
      %dma_start3A_163 = tpu.memref_slice %arg7[%dma_start3A_162] : memref<2048xi32, #tpu.memory_space<vmem>> -> memref<128xi32, #tpu.memory_space<vmem>>
      %dma_start3A_164 = arith.constant 0 : i32
      %dma_start3A_165 = arith.constant 0 : i32
      %dma_start3A_166 = tpu.memref_slice %arg2[%dma_start3A_164, %dma_start3A_165] : memref<160000x128xf32, #tpu.memory_space<hbm>> -> memref<160000x128xf32, #tpu.memory_space<hbm>>
      tpu.enqueue_indirect_dma source(%dma_start3A_166 : memref<160000x128xf32, #tpu.memory_space<hbm>>) target(%arg9 : memref<128x128xf32, #tpu.memory_space<vmem>>) offsets(%dma_start3A_163 : memref<128xi32, #tpu.memory_space<vmem>>) semaphore(%arg12 : memref<!tpu.dma_semaphore, #tpu.memory_space<semaphore_mem>>)
      %dma_wait3A_167 = arith.constant 1280 : i32
      %dma_wait3A_168 = tpu.memref_slice %arg7[%dma_wait3A_167] : memref<2048xi32, #tpu.memory_space<vmem>> -> memref<128xi32, #tpu.memory_space<vmem>>
      %dma_wait3A_169 = arith.constant 0 : i32
      %dma_wait3A_170 = arith.constant 0 : i32
      %dma_wait3A_171 = tpu.memref_slice %arg2[%dma_wait3A_169, %dma_wait3A_170] : memref<160000x128xf32, #tpu.memory_space<hbm>> -> memref<160000x128xf32, #tpu.memory_space<hbm>>
      tpu.wait_indirect_dma semaphore(%arg11 : memref<!tpu.dma_semaphore, #tpu.memory_space<semaphore_mem>>) src(%dma_wait3A_171 : memref<160000x128xf32, #tpu.memory_space<hbm>>) dst(%arg8 : memref<128x128xf32, #tpu.memory_space<vmem>>)
      "tpu.region"() ({
        %run_scoped3A = tpu.sem_alloc : memref<!tpu.dma_semaphore, #tpu.memory_space<semaphore_mem>>
        %dma_start3A_217 = arith.constant 1280 : i32
        %dma_start3A_218 = tpu.memref_slice %arg6[%dma_start3A_217] : memref<2048xi32, #tpu.memory_space<vmem>> -> memref<128xi32, #tpu.memory_space<vmem>>
        %dma_start3A_219 = arith.constant 0 : i32
        %dma_start3A_220 = arith.constant 0 : i32
        %dma_start3A_221 = tpu.memref_slice %arg10[%dma_start3A_219, %dma_start3A_220] : memref<10240x128xf32, #tpu.memory_space<vmem_shared>> -> memref<10240x128xf32, #tpu.memory_space<vmem_shared>>
        tpu.enqueue_indirect_dma source(%arg8 : memref<128x128xf32, #tpu.memory_space<vmem>>) target(%dma_start3A_221 : memref<10240x128xf32, #tpu.memory_space<vmem_shared>>) offsets(%dma_start3A_218 : memref<128xi32, #tpu.memory_space<vmem>>) semaphore(%run_scoped3A : memref<!tpu.dma_semaphore, #tpu.memory_space<semaphore_mem>>) {add = true}
        %dma_wait3A_222 = arith.constant 1280 : i32
        %dma_wait3A_223 = tpu.memref_slice %arg6[%dma_wait3A_222] : memref<2048xi32, #tpu.memory_space<vmem>> -> memref<128xi32, #tpu.memory_space<vmem>>
        %dma_wait3A_224 = arith.constant 0 : i32
        %dma_wait3A_225 = arith.constant 0 : i32
        %dma_wait3A_226 = tpu.memref_slice %arg10[%dma_wait3A_224, %dma_wait3A_225] : memref<10240x128xf32, #tpu.memory_space<vmem_shared>> -> memref<10240x128xf32, #tpu.memory_space<vmem_shared>>
        tpu.wait_indirect_dma semaphore(%run_scoped3A : memref<!tpu.dma_semaphore, #tpu.memory_space<semaphore_mem>>) src(%arg8 : memref<128x128xf32, #tpu.memory_space<vmem>>) dst(%dma_wait3A_226 : memref<10240x128xf32, #tpu.memory_space<vmem_shared>>)
        tpu.yield
      }) : () -> ()
      %dma_start3A_172 = arith.constant 1536 : i32
      %dma_start3A_173 = tpu.memref_slice %arg7[%dma_start3A_172] : memref<2048xi32, #tpu.memory_space<vmem>> -> memref<128xi32, #tpu.memory_space<vmem>>
      %dma_start3A_174 = arith.constant 0 : i32
      %dma_start3A_175 = arith.constant 0 : i32
      %dma_start3A_176 = tpu.memref_slice %arg2[%dma_start3A_174, %dma_start3A_175] : memref<160000x128xf32, #tpu.memory_space<hbm>> -> memref<160000x128xf32, #tpu.memory_space<hbm>>
      tpu.enqueue_indirect_dma source(%dma_start3A_176 : memref<160000x128xf32, #tpu.memory_space<hbm>>) target(%arg8 : memref<128x128xf32, #tpu.memory_space<vmem>>) offsets(%dma_start3A_173 : memref<128xi32, #tpu.memory_space<vmem>>) semaphore(%arg11 : memref<!tpu.dma_semaphore, #tpu.memory_space<semaphore_mem>>)
      %dma_wait3A_177 = arith.constant 1408 : i32
      %dma_wait3A_178 = tpu.memref_slice %arg7[%dma_wait3A_177] : memref<2048xi32, #tpu.memory_space<vmem>> -> memref<128xi32, #tpu.memory_space<vmem>>
      %dma_wait3A_179 = arith.constant 0 : i32
      %dma_wait3A_180 = arith.constant 0 : i32
      %dma_wait3A_181 = tpu.memref_slice %arg2[%dma_wait3A_179, %dma_wait3A_180] : memref<160000x128xf32, #tpu.memory_space<hbm>> -> memref<160000x128xf32, #tpu.memory_space<hbm>>
      tpu.wait_indirect_dma semaphore(%arg12 : memref<!tpu.dma_semaphore, #tpu.memory_space<semaphore_mem>>) src(%dma_wait3A_181 : memref<160000x128xf32, #tpu.memory_space<hbm>>) dst(%arg9 : memref<128x128xf32, #tpu.memory_space<vmem>>)
      "tpu.region"() ({
        %run_scoped3A = tpu.sem_alloc : memref<!tpu.dma_semaphore, #tpu.memory_space<semaphore_mem>>
        %dma_start3A_217 = arith.constant 1408 : i32
        %dma_start3A_218 = tpu.memref_slice %arg6[%dma_start3A_217] : memref<2048xi32, #tpu.memory_space<vmem>> -> memref<128xi32, #tpu.memory_space<vmem>>
        %dma_start3A_219 = arith.constant 0 : i32
        %dma_start3A_220 = arith.constant 0 : i32
        %dma_start3A_221 = tpu.memref_slice %arg10[%dma_start3A_219, %dma_start3A_220] : memref<10240x128xf32, #tpu.memory_space<vmem_shared>> -> memref<10240x128xf32, #tpu.memory_space<vmem_shared>>
        tpu.enqueue_indirect_dma source(%arg9 : memref<128x128xf32, #tpu.memory_space<vmem>>) target(%dma_start3A_221 : memref<10240x128xf32, #tpu.memory_space<vmem_shared>>) offsets(%dma_start3A_218 : memref<128xi32, #tpu.memory_space<vmem>>) semaphore(%run_scoped3A : memref<!tpu.dma_semaphore, #tpu.memory_space<semaphore_mem>>) {add = true}
        %dma_wait3A_222 = arith.constant 1408 : i32
        %dma_wait3A_223 = tpu.memref_slice %arg6[%dma_wait3A_222] : memref<2048xi32, #tpu.memory_space<vmem>> -> memref<128xi32, #tpu.memory_space<vmem>>
        %dma_wait3A_224 = arith.constant 0 : i32
        %dma_wait3A_225 = arith.constant 0 : i32
        %dma_wait3A_226 = tpu.memref_slice %arg10[%dma_wait3A_224, %dma_wait3A_225] : memref<10240x128xf32, #tpu.memory_space<vmem_shared>> -> memref<10240x128xf32, #tpu.memory_space<vmem_shared>>
        tpu.wait_indirect_dma semaphore(%run_scoped3A : memref<!tpu.dma_semaphore, #tpu.memory_space<semaphore_mem>>) src(%arg9 : memref<128x128xf32, #tpu.memory_space<vmem>>) dst(%dma_wait3A_226 : memref<10240x128xf32, #tpu.memory_space<vmem_shared>>)
        tpu.yield
      }) : () -> ()
      %dma_start3A_182 = arith.constant 1664 : i32
      %dma_start3A_183 = tpu.memref_slice %arg7[%dma_start3A_182] : memref<2048xi32, #tpu.memory_space<vmem>> -> memref<128xi32, #tpu.memory_space<vmem>>
      %dma_start3A_184 = arith.constant 0 : i32
      %dma_start3A_185 = arith.constant 0 : i32
      %dma_start3A_186 = tpu.memref_slice %arg2[%dma_start3A_184, %dma_start3A_185] : memref<160000x128xf32, #tpu.memory_space<hbm>> -> memref<160000x128xf32, #tpu.memory_space<hbm>>
      tpu.enqueue_indirect_dma source(%dma_start3A_186 : memref<160000x128xf32, #tpu.memory_space<hbm>>) target(%arg9 : memref<128x128xf32, #tpu.memory_space<vmem>>) offsets(%dma_start3A_183 : memref<128xi32, #tpu.memory_space<vmem>>) semaphore(%arg12 : memref<!tpu.dma_semaphore, #tpu.memory_space<semaphore_mem>>)
      %dma_wait3A_187 = arith.constant 1536 : i32
      %dma_wait3A_188 = tpu.memref_slice %arg7[%dma_wait3A_187] : memref<2048xi32, #tpu.memory_space<vmem>> -> memref<128xi32, #tpu.memory_space<vmem>>
      %dma_wait3A_189 = arith.constant 0 : i32
      %dma_wait3A_190 = arith.constant 0 : i32
      %dma_wait3A_191 = tpu.memref_slice %arg2[%dma_wait3A_189, %dma_wait3A_190] : memref<160000x128xf32, #tpu.memory_space<hbm>> -> memref<160000x128xf32, #tpu.memory_space<hbm>>
      tpu.wait_indirect_dma semaphore(%arg11 : memref<!tpu.dma_semaphore, #tpu.memory_space<semaphore_mem>>) src(%dma_wait3A_191 : memref<160000x128xf32, #tpu.memory_space<hbm>>) dst(%arg8 : memref<128x128xf32, #tpu.memory_space<vmem>>)
      "tpu.region"() ({
        %run_scoped3A = tpu.sem_alloc : memref<!tpu.dma_semaphore, #tpu.memory_space<semaphore_mem>>
        %dma_start3A_217 = arith.constant 1536 : i32
        %dma_start3A_218 = tpu.memref_slice %arg6[%dma_start3A_217] : memref<2048xi32, #tpu.memory_space<vmem>> -> memref<128xi32, #tpu.memory_space<vmem>>
        %dma_start3A_219 = arith.constant 0 : i32
        %dma_start3A_220 = arith.constant 0 : i32
        %dma_start3A_221 = tpu.memref_slice %arg10[%dma_start3A_219, %dma_start3A_220] : memref<10240x128xf32, #tpu.memory_space<vmem_shared>> -> memref<10240x128xf32, #tpu.memory_space<vmem_shared>>
        tpu.enqueue_indirect_dma source(%arg8 : memref<128x128xf32, #tpu.memory_space<vmem>>) target(%dma_start3A_221 : memref<10240x128xf32, #tpu.memory_space<vmem_shared>>) offsets(%dma_start3A_218 : memref<128xi32, #tpu.memory_space<vmem>>) semaphore(%run_scoped3A : memref<!tpu.dma_semaphore, #tpu.memory_space<semaphore_mem>>) {add = true}
        %dma_wait3A_222 = arith.constant 1536 : i32
        %dma_wait3A_223 = tpu.memref_slice %arg6[%dma_wait3A_222] : memref<2048xi32, #tpu.memory_space<vmem>> -> memref<128xi32, #tpu.memory_space<vmem>>
        %dma_wait3A_224 = arith.constant 0 : i32
        %dma_wait3A_225 = arith.constant 0 : i32
        %dma_wait3A_226 = tpu.memref_slice %arg10[%dma_wait3A_224, %dma_wait3A_225] : memref<10240x128xf32, #tpu.memory_space<vmem_shared>> -> memref<10240x128xf32, #tpu.memory_space<vmem_shared>>
        tpu.wait_indirect_dma semaphore(%run_scoped3A : memref<!tpu.dma_semaphore, #tpu.memory_space<semaphore_mem>>) src(%arg8 : memref<128x128xf32, #tpu.memory_space<vmem>>) dst(%dma_wait3A_226 : memref<10240x128xf32, #tpu.memory_space<vmem_shared>>)
        tpu.yield
      }) : () -> ()
      %dma_start3A_192 = arith.constant 1792 : i32
      %dma_start3A_193 = tpu.memref_slice %arg7[%dma_start3A_192] : memref<2048xi32, #tpu.memory_space<vmem>> -> memref<128xi32, #tpu.memory_space<vmem>>
      %dma_start3A_194 = arith.constant 0 : i32
      %dma_start3A_195 = arith.constant 0 : i32
      %dma_start3A_196 = tpu.memref_slice %arg2[%dma_start3A_194, %dma_start3A_195] : memref<160000x128xf32, #tpu.memory_space<hbm>> -> memref<160000x128xf32, #tpu.memory_space<hbm>>
      tpu.enqueue_indirect_dma source(%dma_start3A_196 : memref<160000x128xf32, #tpu.memory_space<hbm>>) target(%arg8 : memref<128x128xf32, #tpu.memory_space<vmem>>) offsets(%dma_start3A_193 : memref<128xi32, #tpu.memory_space<vmem>>) semaphore(%arg11 : memref<!tpu.dma_semaphore, #tpu.memory_space<semaphore_mem>>)
      %dma_wait3A_197 = arith.constant 1664 : i32
      %dma_wait3A_198 = tpu.memref_slice %arg7[%dma_wait3A_197] : memref<2048xi32, #tpu.memory_space<vmem>> -> memref<128xi32, #tpu.memory_space<vmem>>
      %dma_wait3A_199 = arith.constant 0 : i32
      %dma_wait3A_200 = arith.constant 0 : i32
      %dma_wait3A_201 = tpu.memref_slice %arg2[%dma_wait3A_199, %dma_wait3A_200] : memref<160000x128xf32, #tpu.memory_space<hbm>> -> memref<160000x128xf32, #tpu.memory_space<hbm>>
      tpu.wait_indirect_dma semaphore(%arg12 : memref<!tpu.dma_semaphore, #tpu.memory_space<semaphore_mem>>) src(%dma_wait3A_201 : memref<160000x128xf32, #tpu.memory_space<hbm>>) dst(%arg9 : memref<128x128xf32, #tpu.memory_space<vmem>>)
      "tpu.region"() ({
        %run_scoped3A = tpu.sem_alloc : memref<!tpu.dma_semaphore, #tpu.memory_space<semaphore_mem>>
        %dma_start3A_217 = arith.constant 1664 : i32
        %dma_start3A_218 = tpu.memref_slice %arg6[%dma_start3A_217] : memref<2048xi32, #tpu.memory_space<vmem>> -> memref<128xi32, #tpu.memory_space<vmem>>
        %dma_start3A_219 = arith.constant 0 : i32
        %dma_start3A_220 = arith.constant 0 : i32
        %dma_start3A_221 = tpu.memref_slice %arg10[%dma_start3A_219, %dma_start3A_220] : memref<10240x128xf32, #tpu.memory_space<vmem_shared>> -> memref<10240x128xf32, #tpu.memory_space<vmem_shared>>
        tpu.enqueue_indirect_dma source(%arg9 : memref<128x128xf32, #tpu.memory_space<vmem>>) target(%dma_start3A_221 : memref<10240x128xf32, #tpu.memory_space<vmem_shared>>) offsets(%dma_start3A_218 : memref<128xi32, #tpu.memory_space<vmem>>) semaphore(%run_scoped3A : memref<!tpu.dma_semaphore, #tpu.memory_space<semaphore_mem>>) {add = true}
        %dma_wait3A_222 = arith.constant 1664 : i32
        %dma_wait3A_223 = tpu.memref_slice %arg6[%dma_wait3A_222] : memref<2048xi32, #tpu.memory_space<vmem>> -> memref<128xi32, #tpu.memory_space<vmem>>
        %dma_wait3A_224 = arith.constant 0 : i32
        %dma_wait3A_225 = arith.constant 0 : i32
        %dma_wait3A_226 = tpu.memref_slice %arg10[%dma_wait3A_224, %dma_wait3A_225] : memref<10240x128xf32, #tpu.memory_space<vmem_shared>> -> memref<10240x128xf32, #tpu.memory_space<vmem_shared>>
        tpu.wait_indirect_dma semaphore(%run_scoped3A : memref<!tpu.dma_semaphore, #tpu.memory_space<semaphore_mem>>) src(%arg9 : memref<128x128xf32, #tpu.memory_space<vmem>>) dst(%dma_wait3A_226 : memref<10240x128xf32, #tpu.memory_space<vmem_shared>>)
        tpu.yield
      }) : () -> ()
      %dma_start3A_202 = arith.constant 1920 : i32
      %dma_start3A_203 = tpu.memref_slice %arg7[%dma_start3A_202] : memref<2048xi32, #tpu.memory_space<vmem>> -> memref<128xi32, #tpu.memory_space<vmem>>
      %dma_start3A_204 = arith.constant 0 : i32
      %dma_start3A_205 = arith.constant 0 : i32
      %dma_start3A_206 = tpu.memref_slice %arg2[%dma_start3A_204, %dma_start3A_205] : memref<160000x128xf32, #tpu.memory_space<hbm>> -> memref<160000x128xf32, #tpu.memory_space<hbm>>
      tpu.enqueue_indirect_dma source(%dma_start3A_206 : memref<160000x128xf32, #tpu.memory_space<hbm>>) target(%arg9 : memref<128x128xf32, #tpu.memory_space<vmem>>) offsets(%dma_start3A_203 : memref<128xi32, #tpu.memory_space<vmem>>) semaphore(%arg12 : memref<!tpu.dma_semaphore, #tpu.memory_space<semaphore_mem>>)
      %dma_wait3A_207 = arith.constant 1792 : i32
      %dma_wait3A_208 = tpu.memref_slice %arg7[%dma_wait3A_207] : memref<2048xi32, #tpu.memory_space<vmem>> -> memref<128xi32, #tpu.memory_space<vmem>>
      %dma_wait3A_209 = arith.constant 0 : i32
      %dma_wait3A_210 = arith.constant 0 : i32
      %dma_wait3A_211 = tpu.memref_slice %arg2[%dma_wait3A_209, %dma_wait3A_210] : memref<160000x128xf32, #tpu.memory_space<hbm>> -> memref<160000x128xf32, #tpu.memory_space<hbm>>
      tpu.wait_indirect_dma semaphore(%arg11 : memref<!tpu.dma_semaphore, #tpu.memory_space<semaphore_mem>>) src(%dma_wait3A_211 : memref<160000x128xf32, #tpu.memory_space<hbm>>) dst(%arg8 : memref<128x128xf32, #tpu.memory_space<vmem>>)
      "tpu.region"() ({
        %run_scoped3A = tpu.sem_alloc : memref<!tpu.dma_semaphore, #tpu.memory_space<semaphore_mem>>
        %dma_start3A_217 = arith.constant 1792 : i32
        %dma_start3A_218 = tpu.memref_slice %arg6[%dma_start3A_217] : memref<2048xi32, #tpu.memory_space<vmem>> -> memref<128xi32, #tpu.memory_space<vmem>>
        %dma_start3A_219 = arith.constant 0 : i32
        %dma_start3A_220 = arith.constant 0 : i32
        %dma_start3A_221 = tpu.memref_slice %arg10[%dma_start3A_219, %dma_start3A_220] : memref<10240x128xf32, #tpu.memory_space<vmem_shared>> -> memref<10240x128xf32, #tpu.memory_space<vmem_shared>>
        tpu.enqueue_indirect_dma source(%arg8 : memref<128x128xf32, #tpu.memory_space<vmem>>) target(%dma_start3A_221 : memref<10240x128xf32, #tpu.memory_space<vmem_shared>>) offsets(%dma_start3A_218 : memref<128xi32, #tpu.memory_space<vmem>>) semaphore(%run_scoped3A : memref<!tpu.dma_semaphore, #tpu.memory_space<semaphore_mem>>) {add = true}
        %dma_wait3A_222 = arith.constant 1792 : i32
        %dma_wait3A_223 = tpu.memref_slice %arg6[%dma_wait3A_222] : memref<2048xi32, #tpu.memory_space<vmem>> -> memref<128xi32, #tpu.memory_space<vmem>>
        %dma_wait3A_224 = arith.constant 0 : i32
        %dma_wait3A_225 = arith.constant 0 : i32
        %dma_wait3A_226 = tpu.memref_slice %arg10[%dma_wait3A_224, %dma_wait3A_225] : memref<10240x128xf32, #tpu.memory_space<vmem_shared>> -> memref<10240x128xf32, #tpu.memory_space<vmem_shared>>
        tpu.wait_indirect_dma semaphore(%run_scoped3A : memref<!tpu.dma_semaphore, #tpu.memory_space<semaphore_mem>>) src(%arg8 : memref<128x128xf32, #tpu.memory_space<vmem>>) dst(%dma_wait3A_226 : memref<10240x128xf32, #tpu.memory_space<vmem_shared>>)
        tpu.yield
      }) : () -> ()
      %dma_wait3A_212 = arith.constant 1920 : i32
      %dma_wait3A_213 = tpu.memref_slice %arg7[%dma_wait3A_212] : memref<2048xi32, #tpu.memory_space<vmem>> -> memref<128xi32, #tpu.memory_space<vmem>>
      %dma_wait3A_214 = arith.constant 0 : i32
      %dma_wait3A_215 = arith.constant 0 : i32
      %dma_wait3A_216 = tpu.memref_slice %arg2[%dma_wait3A_214, %dma_wait3A_215] : memref<160000x128xf32, #tpu.memory_space<hbm>> -> memref<160000x128xf32, #tpu.memory_space<hbm>>
      tpu.wait_indirect_dma semaphore(%arg12 : memref<!tpu.dma_semaphore, #tpu.memory_space<semaphore_mem>>) src(%dma_wait3A_216 : memref<160000x128xf32, #tpu.memory_space<hbm>>) dst(%arg9 : memref<128x128xf32, #tpu.memory_space<vmem>>)
      "tpu.region"() ({
        %run_scoped3A = tpu.sem_alloc : memref<!tpu.dma_semaphore, #tpu.memory_space<semaphore_mem>>
        %dma_start3A_217 = arith.constant 1920 : i32
        %dma_start3A_218 = tpu.memref_slice %arg6[%dma_start3A_217] : memref<2048xi32, #tpu.memory_space<vmem>> -> memref<128xi32, #tpu.memory_space<vmem>>
        %dma_start3A_219 = arith.constant 0 : i32
        %dma_start3A_220 = arith.constant 0 : i32
        %dma_start3A_221 = tpu.memref_slice %arg10[%dma_start3A_219, %dma_start3A_220] : memref<10240x128xf32, #tpu.memory_space<vmem_shared>> -> memref<10240x128xf32, #tpu.memory_space<vmem_shared>>
        tpu.enqueue_indirect_dma source(%arg9 : memref<128x128xf32, #tpu.memory_space<vmem>>) target(%dma_start3A_221 : memref<10240x128xf32, #tpu.memory_space<vmem_shared>>) offsets(%dma_start3A_218 : memref<128xi32, #tpu.memory_space<vmem>>) semaphore(%run_scoped3A : memref<!tpu.dma_semaphore, #tpu.memory_space<semaphore_mem>>) {add = true}
        %dma_wait3A_222 = arith.constant 1920 : i32
        %dma_wait3A_223 = tpu.memref_slice %arg6[%dma_wait3A_222] : memref<2048xi32, #tpu.memory_space<vmem>> -> memref<128xi32, #tpu.memory_space<vmem>>
        %dma_wait3A_224 = arith.constant 0 : i32
        %dma_wait3A_225 = arith.constant 0 : i32
        %dma_wait3A_226 = tpu.memref_slice %arg10[%dma_wait3A_224, %dma_wait3A_225] : memref<10240x128xf32, #tpu.memory_space<vmem_shared>> -> memref<10240x128xf32, #tpu.memory_space<vmem_shared>>
        tpu.wait_indirect_dma semaphore(%run_scoped3A : memref<!tpu.dma_semaphore, #tpu.memory_space<semaphore_mem>>) src(%arg9 : memref<128x128xf32, #tpu.memory_space<vmem>>) dst(%dma_wait3A_226 : memref<10240x128xf32, #tpu.memory_space<vmem_shared>>)
        tpu.yield
      }) : () -> ()
    }
    %scan3A_30 = arith.constant 5 : i32
    %barrier3A_31 = arith.constant 0 : index
    tpu.barrier barrier_id(%barrier3A_31)
    "tpu.region"() ({
      %run_scoped3A = tpu.sem_alloc : memref<!tpu.dma_semaphore, #tpu.memory_space<semaphore_mem>>
      %dma_start3A = arith.constant 0 : i32
      %dma_start3A_32 = tpu.memref_slice %arg5[%arg0, %mul3A_0, %dma_start3A] : memref<2x10240x128xf32, #tpu.memory_space<hbm>> -> memref<1x640x128xf32, #tpu.memory_space<hbm>>
      %dma_start3A_33 = tpu.memref_squeeze %dma_start3A_32 : memref<1x640x128xf32, #tpu.memory_space<hbm>> -> memref<640x128xf32, #tpu.memory_space<hbm>>
      %dma_start3A_34 = arith.constant 0 : i32
      %dma_start3A_35 = tpu.memref_slice %arg10[%mul3A_0, %dma_start3A_34] : memref<10240x128xf32, #tpu.memory_space<vmem_shared>> -> memref<640x128xf32, #tpu.memory_space<vmem_shared>>
      tpu.enqueue_dma source(%dma_start3A_35 : memref<640x128xf32, #tpu.memory_space<vmem_shared>>) target(%dma_start3A_33 : memref<640x128xf32, #tpu.memory_space<hbm>>) target_semaphore(%run_scoped3A : memref<!tpu.dma_semaphore, #tpu.memory_space<semaphore_mem>>)
      %dma_wait3A = arith.constant 0 : i32
      %dma_wait3A_36 = tpu.memref_slice %arg5[%arg0, %mul3A_0, %dma_wait3A] : memref<2x10240x128xf32, #tpu.memory_space<hbm>> -> memref<1x640x128xf32, #tpu.memory_space<hbm>>
      %dma_wait3A_37 = tpu.memref_squeeze %dma_wait3A_36 : memref<1x640x128xf32, #tpu.memory_space<hbm>> -> memref<640x128xf32, #tpu.memory_space<hbm>>
      %dma_wait3A_38 = arith.constant 0 : i32
      %dma_wait3A_39 = tpu.memref_slice %arg10[%mul3A_0, %dma_wait3A_38] : memref<10240x128xf32, #tpu.memory_space<vmem_shared>> -> memref<640x128xf32, #tpu.memory_space<vmem_shared>>
      tpu.wait_dma2 semaphore(%run_scoped3A : memref<!tpu.dma_semaphore, #tpu.memory_space<semaphore_mem>>) src(%dma_wait3A_39 : memref<640x128xf32, #tpu.memory_space<vmem_shared>>) dst(%dma_wait3A_37 : memref<640x128xf32, #tpu.memory_space<hbm>>)
      tpu.yield
    }) : () -> ()
    return
  }
}

module attributes {stable_mosaic.version = 14 : i64} {
  func.func @_gidx_body(%arg0: memref<2500x128xi32, #tpu.memory_space<vmem>>, %arg1: memref<2500x128xi32, #tpu.memory_space<vmem>>, %arg2: memref<2500x128xi32, #tpu.memory_space<vmem>>) attributes {dimension_semantics = [], scalar_prefetch = 0 : i64, scratch_operands = 0 : i64, tpu.core_type = #tpu.core_type<tc>} {
    %get3A = arith.constant 0 : index
    %get3A_0 = arith.constant 0 : index
    %get3A_1 = vector.load %arg1[%get3A, %get3A_0] : memref<2500x128xi32, #tpu.memory_space<vmem>>, vector<2500x128xi32>
    %mul3A = arith.constant 10000 : i32
    %mul3A_2 = vector.broadcast %mul3A : i32 to vector<2500x128xi32>
    %mul3A_3 = arith.muli %get3A_1, %mul3A_2 : vector<2500x128xi32>
    %get3A_4 = arith.constant 0 : index
    %get3A_5 = arith.constant 0 : index
    %get3A_6 = vector.load %arg0[%get3A_4, %get3A_5] : memref<2500x128xi32, #tpu.memory_space<vmem>>, vector<2500x128xi32>
    %add3A = arith.addi %mul3A_3, %get3A_6 : vector<2500x128xi32>
    %swap3A = arith.constant 0 : index
    %swap3A_7 = arith.constant 0 : index
    %swap3A_8 = vector.load %arg2[%swap3A, %swap3A_7] : memref<2500x128xi32, #tpu.memory_space<vmem>>, vector<2500x128xi32>
    tpu.vector_store %arg2[%swap3A, %swap3A_7], %add3A {strides = array<i32>} : memref<2500x128xi32, #tpu.memory_space<vmem>>, vector<2500x128xi32>,
    return
  }
}

module attributes {stable_mosaic.version = 14 : i64} {
  func.func @_hb_body(%arg0: i32, %arg1: memref<400x128xf32, #tpu.memory_space<vmem>>, %arg2: memref<16x128xf32, #tpu.memory_space<vmem>>, %arg3: memref<1x16xf32, #tpu.memory_space<vmem>>, %arg4: memref<16x128xf32, #tpu.memory_space<vmem>>, %arg5: memref<16x400x128xf32, #tpu.memory_space<vmem>>) attributes {dimension_semantics = [#tpu.dimension_semantics<arbitrary>], iteration_bounds = array<i64: 25>, scalar_prefetch = 0 : i64, scratch_operands = 0 : i64, tpu.core_type = #tpu.core_type<tc>, window_params = [{transform_indices = @transform_0, window_bounds = array<i64: 400, 128>}, {pipeline_mode = #tpu.pipeline_mode<synchronous>, transform_indices = @transform_1, window_bounds = array<i64: 16, 128>}, {pipeline_mode = #tpu.pipeline_mode<synchronous>, transform_indices = @transform_2, window_bounds = array<i64: 1, 16>}, {pipeline_mode = #tpu.pipeline_mode<synchronous>, transform_indices = @transform_3, window_bounds = array<i64: 16, 128>}, {transform_indices = @transform_4, window_bounds = array<i64: 16, 400, 128>}]} {
    %get3A = arith.constant 0 : index
    %get3A_0 = arith.constant 0 : index
    %get3A_1 = vector.load %arg1[%get3A, %get3A_0] : memref<400x128xf32, #tpu.memory_space<vmem>>, vector<400x128xf32>
    %get3A_2 = arith.constant 0 : index
    %get3A_3 = arith.constant 0 : index
    %get3A_4 = vector.load %arg2[%get3A_2, %get3A_3] : memref<16x128xf32, #tpu.memory_space<vmem>>, vector<16x128xf32>
    %dot_general3A = arith.constant dense<0.000000e+00> : vector<400x16xf32>
    %dot_general3A_5 = tpu.matmul %get3A_1, %get3A_4, %dot_general3A {dimension_numbers = #tpu.dot_dimension_numbers<[1], [1], [0], [0], [0, 0, 1, 0], [], []>, transpose_lhs_hint = false} : vector<400x128xf32>, vector<16x128xf32>, vector<400x16xf32> -> vector<400x16xf32>
    %get3A_6 = arith.constant 0 : index
    %get3A_7 = arith.constant 0 : index
    %get3A_8 = vector.load %arg3[%get3A_6, %get3A_7] : memref<1x16xf32, #tpu.memory_space<vmem>>, vector<1x16xf32>
    %add3A = vector.broadcast %get3A_8 : vector<1x16xf32> to vector<400x16xf32>
    %add3A_9 = arith.addf %dot_general3A_5, %add3A : vector<400x16xf32>
    %logistic3A = arith.negf %add3A_9 : vector<400x16xf32>
    %logistic3A_10 = math.exp %logistic3A : vector<400x16xf32>
    %logistic3A_11 = arith.constant 1.000000e+00 : f32
    %logistic3A_12 = vector.broadcast %logistic3A_11 : f32 to vector<400x16xf32>
    %logistic3A_13 = arith.addf %logistic3A_12, %logistic3A_10 : vector<400x16xf32>
    %logistic3A_14 = arith.divf %logistic3A_12, %logistic3A_13 : vector<400x16xf32>
    %slice3A = vector.extract_strided_slice %logistic3A_14 {offsets = [0, 0], sizes = [400, 1], strides = [1, 1]} : vector<400x16xf32> to vector<400x1xf32>
    %get3A_15 = arith.constant 0 : index
    %get3A_16 = arith.constant 0 : index
    %get3A_17 = vector.load %arg4[%get3A_15, %get3A_16] : memref<16x128xf32, #tpu.memory_space<vmem>>, vector<1x128xf32>
    %get3A_18 = vector.shape_cast %get3A_17 : vector<1x128xf32> to vector<128xf32>
    %broadcast_in_dim3A = vector.shape_cast %get3A_18 : vector<128xf32> to vector<1x128xf32>
    %add3A_19 = vector.broadcast %broadcast_in_dim3A : vector<1x128xf32> to vector<400x128xf32>
    %add3A_20 = arith.addf %get3A_1, %add3A_19 : vector<400x128xf32>
    %mul3A = vector.broadcast %slice3A : vector<400x1xf32> to vector<400x128xf32>
    %mul3A_21 = arith.mulf %mul3A, %add3A_20 : vector<400x128xf32>
    %swap3A = arith.constant 0 : index
    %swap3A_22 = arith.constant 0 : index
    %swap3A_23 = arith.constant 0 : index
    %swap3A_24 = vector.load %arg5[%swap3A, %swap3A_22, %swap3A_23] : memref<16x400x128xf32, #tpu.memory_space<vmem>>, vector<1x400x128xf32>
    %swap3A_25 = vector.shape_cast %swap3A_24 : vector<1x400x128xf32> to vector<400x128xf32>
    %swap3A_26 = vector.shape_cast %mul3A_21 : vector<400x128xf32> to vector<1x400x128xf32>
    tpu.vector_store %arg5[%swap3A, %swap3A_22, %swap3A_23], %swap3A_26 {strides = array<i32>} : memref<16x400x128xf32, #tpu.memory_space<vmem>>, vector<1x400x128xf32>,
    %slice3A_27 = vector.extract_strided_slice %logistic3A_14 {offsets = [0, 1], sizes = [400, 1], strides = [1, 1]} : vector<400x16xf32> to vector<400x1xf32>
    %get3A_28 = arith.constant 1 : index
    %get3A_29 = arith.constant 0 : index
    %get3A_30 = vector.load %arg4[%get3A_28, %get3A_29] : memref<16x128xf32, #tpu.memory_space<vmem>>, vector<1x128xf32>
    %get3A_31 = vector.shape_cast %get3A_30 : vector<1x128xf32> to vector<128xf32>
    %broadcast_in_dim3A_32 = vector.shape_cast %get3A_31 : vector<128xf32> to vector<1x128xf32>
    %add3A_33 = vector.broadcast %broadcast_in_dim3A_32 : vector<1x128xf32> to vector<400x128xf32>
    %add3A_34 = arith.addf %get3A_1, %add3A_33 : vector<400x128xf32>
    %mul3A_35 = vector.broadcast %slice3A_27 : vector<400x1xf32> to vector<400x128xf32>
    %mul3A_36 = arith.mulf %mul3A_35, %add3A_34 : vector<400x128xf32>
    %swap3A_37 = arith.constant 1 : index
    %swap3A_38 = arith.constant 0 : index
    %swap3A_39 = arith.constant 0 : index
    %swap3A_40 = vector.load %arg5[%swap3A_37, %swap3A_38, %swap3A_39] : memref<16x400x128xf32, #tpu.memory_space<vmem>>, vector<1x400x128xf32>
    %swap3A_41 = vector.shape_cast %swap3A_40 : vector<1x400x128xf32> to vector<400x128xf32>
    %swap3A_42 = vector.shape_cast %mul3A_36 : vector<400x128xf32> to vector<1x400x128xf32>
    tpu.vector_store %arg5[%swap3A_37, %swap3A_38, %swap3A_39], %swap3A_42 {strides = array<i32>} : memref<16x400x128xf32, #tpu.memory_space<vmem>>, vector<1x400x128xf32>,
    %slice3A_43 = vector.extract_strided_slice %logistic3A_14 {offsets = [0, 2], sizes = [400, 1], strides = [1, 1]} : vector<400x16xf32> to vector<400x1xf32>
    %get3A_44 = arith.constant 2 : index
    %get3A_45 = arith.constant 0 : index
    %get3A_46 = vector.load %arg4[%get3A_44, %get3A_45] : memref<16x128xf32, #tpu.memory_space<vmem>>, vector<1x128xf32>
    %get3A_47 = vector.shape_cast %get3A_46 : vector<1x128xf32> to vector<128xf32>
    %broadcast_in_dim3A_48 = vector.shape_cast %get3A_47 : vector<128xf32> to vector<1x128xf32>
    %add3A_49 = vector.broadcast %broadcast_in_dim3A_48 : vector<1x128xf32> to vector<400x128xf32>
    %add3A_50 = arith.addf %get3A_1, %add3A_49 : vector<400x128xf32>
    %mul3A_51 = vector.broadcast %slice3A_43 : vector<400x1xf32> to vector<400x128xf32>
    %mul3A_52 = arith.mulf %mul3A_51, %add3A_50 : vector<400x128xf32>
    %swap3A_53 = arith.constant 2 : index
    %swap3A_54 = arith.constant 0 : index
    %swap3A_55 = arith.constant 0 : index
    %swap3A_56 = vector.load %arg5[%swap3A_53, %swap3A_54, %swap3A_55] : memref<16x400x128xf32, #tpu.memory_space<vmem>>, vector<1x400x128xf32>
    %swap3A_57 = vector.shape_cast %swap3A_56 : vector<1x400x128xf32> to vector<400x128xf32>
    %swap3A_58 = vector.shape_cast %mul3A_52 : vector<400x128xf32> to vector<1x400x128xf32>
    tpu.vector_store %arg5[%swap3A_53, %swap3A_54, %swap3A_55], %swap3A_58 {strides = array<i32>} : memref<16x400x128xf32, #tpu.memory_space<vmem>>, vector<1x400x128xf32>,
    %slice3A_59 = vector.extract_strided_slice %logistic3A_14 {offsets = [0, 3], sizes = [400, 1], strides = [1, 1]} : vector<400x16xf32> to vector<400x1xf32>
    %get3A_60 = arith.constant 3 : index
    %get3A_61 = arith.constant 0 : index
    %get3A_62 = vector.load %arg4[%get3A_60, %get3A_61] : memref<16x128xf32, #tpu.memory_space<vmem>>, vector<1x128xf32>
    %get3A_63 = vector.shape_cast %get3A_62 : vector<1x128xf32> to vector<128xf32>
    %broadcast_in_dim3A_64 = vector.shape_cast %get3A_63 : vector<128xf32> to vector<1x128xf32>
    %add3A_65 = vector.broadcast %broadcast_in_dim3A_64 : vector<1x128xf32> to vector<400x128xf32>
    %add3A_66 = arith.addf %get3A_1, %add3A_65 : vector<400x128xf32>
    %mul3A_67 = vector.broadcast %slice3A_59 : vector<400x1xf32> to vector<400x128xf32>
    %mul3A_68 = arith.mulf %mul3A_67, %add3A_66 : vector<400x128xf32>
    %swap3A_69 = arith.constant 3 : index
    %swap3A_70 = arith.constant 0 : index
    %swap3A_71 = arith.constant 0 : index
    %swap3A_72 = vector.load %arg5[%swap3A_69, %swap3A_70, %swap3A_71] : memref<16x400x128xf32, #tpu.memory_space<vmem>>, vector<1x400x128xf32>
    %swap3A_73 = vector.shape_cast %swap3A_72 : vector<1x400x128xf32> to vector<400x128xf32>
    %swap3A_74 = vector.shape_cast %mul3A_68 : vector<400x128xf32> to vector<1x400x128xf32>
    tpu.vector_store %arg5[%swap3A_69, %swap3A_70, %swap3A_71], %swap3A_74 {strides = array<i32>} : memref<16x400x128xf32, #tpu.memory_space<vmem>>, vector<1x400x128xf32>,
    %slice3A_75 = vector.extract_strided_slice %logistic3A_14 {offsets = [0, 4], sizes = [400, 1], strides = [1, 1]} : vector<400x16xf32> to vector<400x1xf32>
    %get3A_76 = arith.constant 4 : index
    %get3A_77 = arith.constant 0 : index
    %get3A_78 = vector.load %arg4[%get3A_76, %get3A_77] : memref<16x128xf32, #tpu.memory_space<vmem>>, vector<1x128xf32>
    %get3A_79 = vector.shape_cast %get3A_78 : vector<1x128xf32> to vector<128xf32>
    %broadcast_in_dim3A_80 = vector.shape_cast %get3A_79 : vector<128xf32> to vector<1x128xf32>
    %add3A_81 = vector.broadcast %broadcast_in_dim3A_80 : vector<1x128xf32> to vector<400x128xf32>
    %add3A_82 = arith.addf %get3A_1, %add3A_81 : vector<400x128xf32>
    %mul3A_83 = vector.broadcast %slice3A_75 : vector<400x1xf32> to vector<400x128xf32>
    %mul3A_84 = arith.mulf %mul3A_83, %add3A_82 : vector<400x128xf32>
    %swap3A_85 = arith.constant 4 : index
    %swap3A_86 = arith.constant 0 : index
    %swap3A_87 = arith.constant 0 : index
    %swap3A_88 = vector.load %arg5[%swap3A_85, %swap3A_86, %swap3A_87] : memref<16x400x128xf32, #tpu.memory_space<vmem>>, vector<1x400x128xf32>
    %swap3A_89 = vector.shape_cast %swap3A_88 : vector<1x400x128xf32> to vector<400x128xf32>
    %swap3A_90 = vector.shape_cast %mul3A_84 : vector<400x128xf32> to vector<1x400x128xf32>
    tpu.vector_store %arg5[%swap3A_85, %swap3A_86, %swap3A_87], %swap3A_90 {strides = array<i32>} : memref<16x400x128xf32, #tpu.memory_space<vmem>>, vector<1x400x128xf32>,
    %slice3A_91 = vector.extract_strided_slice %logistic3A_14 {offsets = [0, 5], sizes = [400, 1], strides = [1, 1]} : vector<400x16xf32> to vector<400x1xf32>
    %get3A_92 = arith.constant 5 : index
    %get3A_93 = arith.constant 0 : index
    %get3A_94 = vector.load %arg4[%get3A_92, %get3A_93] : memref<16x128xf32, #tpu.memory_space<vmem>>, vector<1x128xf32>
    %get3A_95 = vector.shape_cast %get3A_94 : vector<1x128xf32> to vector<128xf32>
    %broadcast_in_dim3A_96 = vector.shape_cast %get3A_95 : vector<128xf32> to vector<1x128xf32>
    %add3A_97 = vector.broadcast %broadcast_in_dim3A_96 : vector<1x128xf32> to vector<400x128xf32>
    %add3A_98 = arith.addf %get3A_1, %add3A_97 : vector<400x128xf32>
    %mul3A_99 = vector.broadcast %slice3A_91 : vector<400x1xf32> to vector<400x128xf32>
    %mul3A_100 = arith.mulf %mul3A_99, %add3A_98 : vector<400x128xf32>
    %swap3A_101 = arith.constant 5 : index
    %swap3A_102 = arith.constant 0 : index
    %swap3A_103 = arith.constant 0 : index
    %swap3A_104 = vector.load %arg5[%swap3A_101, %swap3A_102, %swap3A_103] : memref<16x400x128xf32, #tpu.memory_space<vmem>>, vector<1x400x128xf32>
    %swap3A_105 = vector.shape_cast %swap3A_104 : vector<1x400x128xf32> to vector<400x128xf32>
    %swap3A_106 = vector.shape_cast %mul3A_100 : vector<400x128xf32> to vector<1x400x128xf32>
    tpu.vector_store %arg5[%swap3A_101, %swap3A_102, %swap3A_103], %swap3A_106 {strides = array<i32>} : memref<16x400x128xf32, #tpu.memory_space<vmem>>, vector<1x400x128xf32>,
    %slice3A_107 = vector.extract_strided_slice %logistic3A_14 {offsets = [0, 6], sizes = [400, 1], strides = [1, 1]} : vector<400x16xf32> to vector<400x1xf32>
    %get3A_108 = arith.constant 6 : index
    %get3A_109 = arith.constant 0 : index
    %get3A_110 = vector.load %arg4[%get3A_108, %get3A_109] : memref<16x128xf32, #tpu.memory_space<vmem>>, vector<1x128xf32>
    %get3A_111 = vector.shape_cast %get3A_110 : vector<1x128xf32> to vector<128xf32>
    %broadcast_in_dim3A_112 = vector.shape_cast %get3A_111 : vector<128xf32> to vector<1x128xf32>
    %add3A_113 = vector.broadcast %broadcast_in_dim3A_112 : vector<1x128xf32> to vector<400x128xf32>
    %add3A_114 = arith.addf %get3A_1, %add3A_113 : vector<400x128xf32>
    %mul3A_115 = vector.broadcast %slice3A_107 : vector<400x1xf32> to vector<400x128xf32>
    %mul3A_116 = arith.mulf %mul3A_115, %add3A_114 : vector<400x128xf32>
    %swap3A_117 = arith.constant 6 : index
    %swap3A_118 = arith.constant 0 : index
    %swap3A_119 = arith.constant 0 : index
    %swap3A_120 = vector.load %arg5[%swap3A_117, %swap3A_118, %swap3A_119] : memref<16x400x128xf32, #tpu.memory_space<vmem>>, vector<1x400x128xf32>
    %swap3A_121 = vector.shape_cast %swap3A_120 : vector<1x400x128xf32> to vector<400x128xf32>
    %swap3A_122 = vector.shape_cast %mul3A_116 : vector<400x128xf32> to vector<1x400x128xf32>
    tpu.vector_store %arg5[%swap3A_117, %swap3A_118, %swap3A_119], %swap3A_122 {strides = array<i32>} : memref<16x400x128xf32, #tpu.memory_space<vmem>>, vector<1x400x128xf32>,
    %slice3A_123 = vector.extract_strided_slice %logistic3A_14 {offsets = [0, 7], sizes = [400, 1], strides = [1, 1]} : vector<400x16xf32> to vector<400x1xf32>
    %get3A_124 = arith.constant 7 : index
    %get3A_125 = arith.constant 0 : index
    %get3A_126 = vector.load %arg4[%get3A_124, %get3A_125] : memref<16x128xf32, #tpu.memory_space<vmem>>, vector<1x128xf32>
    %get3A_127 = vector.shape_cast %get3A_126 : vector<1x128xf32> to vector<128xf32>
    %broadcast_in_dim3A_128 = vector.shape_cast %get3A_127 : vector<128xf32> to vector<1x128xf32>
    %add3A_129 = vector.broadcast %broadcast_in_dim3A_128 : vector<1x128xf32> to vector<400x128xf32>
    %add3A_130 = arith.addf %get3A_1, %add3A_129 : vector<400x128xf32>
    %mul3A_131 = vector.broadcast %slice3A_123 : vector<400x1xf32> to vector<400x128xf32>
    %mul3A_132 = arith.mulf %mul3A_131, %add3A_130 : vector<400x128xf32>
    %swap3A_133 = arith.constant 7 : index
    %swap3A_134 = arith.constant 0 : index
    %swap3A_135 = arith.constant 0 : index
    %swap3A_136 = vector.load %arg5[%swap3A_133, %swap3A_134, %swap3A_135] : memref<16x400x128xf32, #tpu.memory_space<vmem>>, vector<1x400x128xf32>
    %swap3A_137 = vector.shape_cast %swap3A_136 : vector<1x400x128xf32> to vector<400x128xf32>
    %swap3A_138 = vector.shape_cast %mul3A_132 : vector<400x128xf32> to vector<1x400x128xf32>
    tpu.vector_store %arg5[%swap3A_133, %swap3A_134, %swap3A_135], %swap3A_138 {strides = array<i32>} : memref<16x400x128xf32, #tpu.memory_space<vmem>>, vector<1x400x128xf32>,
    %slice3A_139 = vector.extract_strided_slice %logistic3A_14 {offsets = [0, 8], sizes = [400, 1], strides = [1, 1]} : vector<400x16xf32> to vector<400x1xf32>
    %get3A_140 = arith.constant 8 : index
    %get3A_141 = arith.constant 0 : index
    %get3A_142 = vector.load %arg4[%get3A_140, %get3A_141] : memref<16x128xf32, #tpu.memory_space<vmem>>, vector<1x128xf32>
    %get3A_143 = vector.shape_cast %get3A_142 : vector<1x128xf32> to vector<128xf32>
    %broadcast_in_dim3A_144 = vector.shape_cast %get3A_143 : vector<128xf32> to vector<1x128xf32>
    %add3A_145 = vector.broadcast %broadcast_in_dim3A_144 : vector<1x128xf32> to vector<400x128xf32>
    %add3A_146 = arith.addf %get3A_1, %add3A_145 : vector<400x128xf32>
    %mul3A_147 = vector.broadcast %slice3A_139 : vector<400x1xf32> to vector<400x128xf32>
    %mul3A_148 = arith.mulf %mul3A_147, %add3A_146 : vector<400x128xf32>
    %swap3A_149 = arith.constant 8 : index
    %swap3A_150 = arith.constant 0 : index
    %swap3A_151 = arith.constant 0 : index
    %swap3A_152 = vector.load %arg5[%swap3A_149, %swap3A_150, %swap3A_151] : memref<16x400x128xf32, #tpu.memory_space<vmem>>, vector<1x400x128xf32>
    %swap3A_153 = vector.shape_cast %swap3A_152 : vector<1x400x128xf32> to vector<400x128xf32>
    %swap3A_154 = vector.shape_cast %mul3A_148 : vector<400x128xf32> to vector<1x400x128xf32>
    tpu.vector_store %arg5[%swap3A_149, %swap3A_150, %swap3A_151], %swap3A_154 {strides = array<i32>} : memref<16x400x128xf32, #tpu.memory_space<vmem>>, vector<1x400x128xf32>,
    %slice3A_155 = vector.extract_strided_slice %logistic3A_14 {offsets = [0, 9], sizes = [400, 1], strides = [1, 1]} : vector<400x16xf32> to vector<400x1xf32>
    %get3A_156 = arith.constant 9 : index
    %get3A_157 = arith.constant 0 : index
    %get3A_158 = vector.load %arg4[%get3A_156, %get3A_157] : memref<16x128xf32, #tpu.memory_space<vmem>>, vector<1x128xf32>
    %get3A_159 = vector.shape_cast %get3A_158 : vector<1x128xf32> to vector<128xf32>
    %broadcast_in_dim3A_160 = vector.shape_cast %get3A_159 : vector<128xf32> to vector<1x128xf32>
    %add3A_161 = vector.broadcast %broadcast_in_dim3A_160 : vector<1x128xf32> to vector<400x128xf32>
    %add3A_162 = arith.addf %get3A_1, %add3A_161 : vector<400x128xf32>
    %mul3A_163 = vector.broadcast %slice3A_155 : vector<400x1xf32> to vector<400x128xf32>
    %mul3A_164 = arith.mulf %mul3A_163, %add3A_162 : vector<400x128xf32>
    %swap3A_165 = arith.constant 9 : index
    %swap3A_166 = arith.constant 0 : index
    %swap3A_167 = arith.constant 0 : index
    %swap3A_168 = vector.load %arg5[%swap3A_165, %swap3A_166, %swap3A_167] : memref<16x400x128xf32, #tpu.memory_space<vmem>>, vector<1x400x128xf32>
    %swap3A_169 = vector.shape_cast %swap3A_168 : vector<1x400x128xf32> to vector<400x128xf32>
    %swap3A_170 = vector.shape_cast %mul3A_164 : vector<400x128xf32> to vector<1x400x128xf32>
    tpu.vector_store %arg5[%swap3A_165, %swap3A_166, %swap3A_167], %swap3A_170 {strides = array<i32>} : memref<16x400x128xf32, #tpu.memory_space<vmem>>, vector<1x400x128xf32>,
    %slice3A_171 = vector.extract_strided_slice %logistic3A_14 {offsets = [0, 10], sizes = [400, 1], strides = [1, 1]} : vector<400x16xf32> to vector<400x1xf32>
    %get3A_172 = arith.constant 10 : index
    %get3A_173 = arith.constant 0 : index
    %get3A_174 = vector.load %arg4[%get3A_172, %get3A_173] : memref<16x128xf32, #tpu.memory_space<vmem>>, vector<1x128xf32>
    %get3A_175 = vector.shape_cast %get3A_174 : vector<1x128xf32> to vector<128xf32>
    %broadcast_in_dim3A_176 = vector.shape_cast %get3A_175 : vector<128xf32> to vector<1x128xf32>
    %add3A_177 = vector.broadcast %broadcast_in_dim3A_176 : vector<1x128xf32> to vector<400x128xf32>
    %add3A_178 = arith.addf %get3A_1, %add3A_177 : vector<400x128xf32>
    %mul3A_179 = vector.broadcast %slice3A_171 : vector<400x1xf32> to vector<400x128xf32>
    %mul3A_180 = arith.mulf %mul3A_179, %add3A_178 : vector<400x128xf32>
    %swap3A_181 = arith.constant 10 : index
    %swap3A_182 = arith.constant 0 : index
    %swap3A_183 = arith.constant 0 : index
    %swap3A_184 = vector.load %arg5[%swap3A_181, %swap3A_182, %swap3A_183] : memref<16x400x128xf32, #tpu.memory_space<vmem>>, vector<1x400x128xf32>
    %swap3A_185 = vector.shape_cast %swap3A_184 : vector<1x400x128xf32> to vector<400x128xf32>
    %swap3A_186 = vector.shape_cast %mul3A_180 : vector<400x128xf32> to vector<1x400x128xf32>
    tpu.vector_store %arg5[%swap3A_181, %swap3A_182, %swap3A_183], %swap3A_186 {strides = array<i32>} : memref<16x400x128xf32, #tpu.memory_space<vmem>>, vector<1x400x128xf32>,
    %slice3A_187 = vector.extract_strided_slice %logistic3A_14 {offsets = [0, 11], sizes = [400, 1], strides = [1, 1]} : vector<400x16xf32> to vector<400x1xf32>
    %get3A_188 = arith.constant 11 : index
    %get3A_189 = arith.constant 0 : index
    %get3A_190 = vector.load %arg4[%get3A_188, %get3A_189] : memref<16x128xf32, #tpu.memory_space<vmem>>, vector<1x128xf32>
    %get3A_191 = vector.shape_cast %get3A_190 : vector<1x128xf32> to vector<128xf32>
    %broadcast_in_dim3A_192 = vector.shape_cast %get3A_191 : vector<128xf32> to vector<1x128xf32>
    %add3A_193 = vector.broadcast %broadcast_in_dim3A_192 : vector<1x128xf32> to vector<400x128xf32>
    %add3A_194 = arith.addf %get3A_1, %add3A_193 : vector<400x128xf32>
    %mul3A_195 = vector.broadcast %slice3A_187 : vector<400x1xf32> to vector<400x128xf32>
    %mul3A_196 = arith.mulf %mul3A_195, %add3A_194 : vector<400x128xf32>
    %swap3A_197 = arith.constant 11 : index
    %swap3A_198 = arith.constant 0 : index
    %swap3A_199 = arith.constant 0 : index
    %swap3A_200 = vector.load %arg5[%swap3A_197, %swap3A_198, %swap3A_199] : memref<16x400x128xf32, #tpu.memory_space<vmem>>, vector<1x400x128xf32>
    %swap3A_201 = vector.shape_cast %swap3A_200 : vector<1x400x128xf32> to vector<400x128xf32>
    %swap3A_202 = vector.shape_cast %mul3A_196 : vector<400x128xf32> to vector<1x400x128xf32>
    tpu.vector_store %arg5[%swap3A_197, %swap3A_198, %swap3A_199], %swap3A_202 {strides = array<i32>} : memref<16x400x128xf32, #tpu.memory_space<vmem>>, vector<1x400x128xf32>,
    %slice3A_203 = vector.extract_strided_slice %logistic3A_14 {offsets = [0, 12], sizes = [400, 1], strides = [1, 1]} : vector<400x16xf32> to vector<400x1xf32>
    %get3A_204 = arith.constant 12 : index
    %get3A_205 = arith.constant 0 : index
    %get3A_206 = vector.load %arg4[%get3A_204, %get3A_205] : memref<16x128xf32, #tpu.memory_space<vmem>>, vector<1x128xf32>
    %get3A_207 = vector.shape_cast %get3A_206 : vector<1x128xf32> to vector<128xf32>
    %broadcast_in_dim3A_208 = vector.shape_cast %get3A_207 : vector<128xf32> to vector<1x128xf32>
    %add3A_209 = vector.broadcast %broadcast_in_dim3A_208 : vector<1x128xf32> to vector<400x128xf32>
    %add3A_210 = arith.addf %get3A_1, %add3A_209 : vector<400x128xf32>
    %mul3A_211 = vector.broadcast %slice3A_203 : vector<400x1xf32> to vector<400x128xf32>
    %mul3A_212 = arith.mulf %mul3A_211, %add3A_210 : vector<400x128xf32>
    %swap3A_213 = arith.constant 12 : index
    %swap3A_214 = arith.constant 0 : index
    %swap3A_215 = arith.constant 0 : index
    %swap3A_216 = vector.load %arg5[%swap3A_213, %swap3A_214, %swap3A_215] : memref<16x400x128xf32, #tpu.memory_space<vmem>>, vector<1x400x128xf32>
    %swap3A_217 = vector.shape_cast %swap3A_216 : vector<1x400x128xf32> to vector<400x128xf32>
    %swap3A_218 = vector.shape_cast %mul3A_212 : vector<400x128xf32> to vector<1x400x128xf32>
    tpu.vector_store %arg5[%swap3A_213, %swap3A_214, %swap3A_215], %swap3A_218 {strides = array<i32>} : memref<16x400x128xf32, #tpu.memory_space<vmem>>, vector<1x400x128xf32>,
    %slice3A_219 = vector.extract_strided_slice %logistic3A_14 {offsets = [0, 13], sizes = [400, 1], strides = [1, 1]} : vector<400x16xf32> to vector<400x1xf32>
    %get3A_220 = arith.constant 13 : index
    %get3A_221 = arith.constant 0 : index
    %get3A_222 = vector.load %arg4[%get3A_220, %get3A_221] : memref<16x128xf32, #tpu.memory_space<vmem>>, vector<1x128xf32>
    %get3A_223 = vector.shape_cast %get3A_222 : vector<1x128xf32> to vector<128xf32>
    %broadcast_in_dim3A_224 = vector.shape_cast %get3A_223 : vector<128xf32> to vector<1x128xf32>
    %add3A_225 = vector.broadcast %broadcast_in_dim3A_224 : vector<1x128xf32> to vector<400x128xf32>
    %add3A_226 = arith.addf %get3A_1, %add3A_225 : vector<400x128xf32>
    %mul3A_227 = vector.broadcast %slice3A_219 : vector<400x1xf32> to vector<400x128xf32>
    %mul3A_228 = arith.mulf %mul3A_227, %add3A_226 : vector<400x128xf32>
    %swap3A_229 = arith.constant 13 : index
    %swap3A_230 = arith.constant 0 : index
    %swap3A_231 = arith.constant 0 : index
    %swap3A_232 = vector.load %arg5[%swap3A_229, %swap3A_230, %swap3A_231] : memref<16x400x128xf32, #tpu.memory_space<vmem>>, vector<1x400x128xf32>
    %swap3A_233 = vector.shape_cast %swap3A_232 : vector<1x400x128xf32> to vector<400x128xf32>
    %swap3A_234 = vector.shape_cast %mul3A_228 : vector<400x128xf32> to vector<1x400x128xf32>
    tpu.vector_store %arg5[%swap3A_229, %swap3A_230, %swap3A_231], %swap3A_234 {strides = array<i32>} : memref<16x400x128xf32, #tpu.memory_space<vmem>>, vector<1x400x128xf32>,
    %slice3A_235 = vector.extract_strided_slice %logistic3A_14 {offsets = [0, 14], sizes = [400, 1], strides = [1, 1]} : vector<400x16xf32> to vector<400x1xf32>
    %get3A_236 = arith.constant 14 : index
    %get3A_237 = arith.constant 0 : index
    %get3A_238 = vector.load %arg4[%get3A_236, %get3A_237] : memref<16x128xf32, #tpu.memory_space<vmem>>, vector<1x128xf32>
    %get3A_239 = vector.shape_cast %get3A_238 : vector<1x128xf32> to vector<128xf32>
    %broadcast_in_dim3A_240 = vector.shape_cast %get3A_239 : vector<128xf32> to vector<1x128xf32>
    %add3A_241 = vector.broadcast %broadcast_in_dim3A_240 : vector<1x128xf32> to vector<400x128xf32>
    %add3A_242 = arith.addf %get3A_1, %add3A_241 : vector<400x128xf32>
    %mul3A_243 = vector.broadcast %slice3A_235 : vector<400x1xf32> to vector<400x128xf32>
    %mul3A_244 = arith.mulf %mul3A_243, %add3A_242 : vector<400x128xf32>
    %swap3A_245 = arith.constant 14 : index
    %swap3A_246 = arith.constant 0 : index
    %swap3A_247 = arith.constant 0 : index
    %swap3A_248 = vector.load %arg5[%swap3A_245, %swap3A_246, %swap3A_247] : memref<16x400x128xf32, #tpu.memory_space<vmem>>, vector<1x400x128xf32>
    %swap3A_249 = vector.shape_cast %swap3A_248 : vector<1x400x128xf32> to vector<400x128xf32>
    %swap3A_250 = vector.shape_cast %mul3A_244 : vector<400x128xf32> to vector<1x400x128xf32>
    tpu.vector_store %arg5[%swap3A_245, %swap3A_246, %swap3A_247], %swap3A_250 {strides = array<i32>} : memref<16x400x128xf32, #tpu.memory_space<vmem>>, vector<1x400x128xf32>,
    %slice3A_251 = vector.extract_strided_slice %logistic3A_14 {offsets = [0, 15], sizes = [400, 1], strides = [1, 1]} : vector<400x16xf32> to vector<400x1xf32>
    %get3A_252 = arith.constant 15 : index
    %get3A_253 = arith.constant 0 : index
    %get3A_254 = vector.load %arg4[%get3A_252, %get3A_253] : memref<16x128xf32, #tpu.memory_space<vmem>>, vector<1x128xf32>
    %get3A_255 = vector.shape_cast %get3A_254 : vector<1x128xf32> to vector<128xf32>
    %broadcast_in_dim3A_256 = vector.shape_cast %get3A_255 : vector<128xf32> to vector<1x128xf32>
    %add3A_257 = vector.broadcast %broadcast_in_dim3A_256 : vector<1x128xf32> to vector<400x128xf32>
    %add3A_258 = arith.addf %get3A_1, %add3A_257 : vector<400x128xf32>
    %mul3A_259 = vector.broadcast %slice3A_251 : vector<400x1xf32> to vector<400x128xf32>
    %mul3A_260 = arith.mulf %mul3A_259, %add3A_258 : vector<400x128xf32>
    %swap3A_261 = arith.constant 15 : index
    %swap3A_262 = arith.constant 0 : index
    %swap3A_263 = arith.constant 0 : index
    %swap3A_264 = vector.load %arg5[%swap3A_261, %swap3A_262, %swap3A_263] : memref<16x400x128xf32, #tpu.memory_space<vmem>>, vector<1x400x128xf32>
    %swap3A_265 = vector.shape_cast %swap3A_264 : vector<1x400x128xf32> to vector<400x128xf32>
    %swap3A_266 = vector.shape_cast %mul3A_260 : vector<400x128xf32> to vector<1x400x128xf32>
    tpu.vector_store %arg5[%swap3A_261, %swap3A_262, %swap3A_263], %swap3A_266 {strides = array<i32>} : memref<16x400x128xf32, #tpu.memory_space<vmem>>, vector<1x400x128xf32>,
    return
  }
  func.func @transform_0(%arg0: i32) -> (i32, i32) {
    %c0_i32 = arith.constant 0 : i32
    %c0_i32_0 = arith.constant 0 : i32
    return %arg0, %c0_i32 : i32, i32
  }
  func.func @transform_1(%arg0: i32) -> (i32, i32) {
    %c0_i32 = arith.constant 0 : i32
    %c0_i32_0 = arith.constant 0 : i32
    %c0_i32_1 = arith.constant 0 : i32
    return %c0_i32, %c0_i32_0 : i32, i32
  }
  func.func @transform_2(%arg0: i32) -> (i32, i32) {
    %c0_i32 = arith.constant 0 : i32
    %c0_i32_0 = arith.constant 0 : i32
    %c0_i32_1 = arith.constant 0 : i32
    return %c0_i32, %c0_i32_0 : i32, i32
  }
  func.func @transform_3(%arg0: i32) -> (i32, i32) {
    %c0_i32 = arith.constant 0 : i32
    %c0_i32_0 = arith.constant 0 : i32
    %c0_i32_1 = arith.constant 0 : i32
    return %c0_i32, %c0_i32_0 : i32, i32
  }
  func.func @transform_4(%arg0: i32) -> (i32, i32, i32) {
    %c0_i32 = arith.constant 0 : i32
    %c0_i32_0 = arith.constant 0 : i32
    %c0_i32_1 = arith.constant 0 : i32
    return %c0_i32, %arg0, %c0_i32_0 : i32, i32, i32
  }
}

module attributes {stable_mosaic.version = 14 : i64} {
  func.func @_final_body(%arg0: i32, %arg1: memref<200x128xf32, #tpu.memory_space<vmem>>, %arg2: memref<128x128xf32, #tpu.memory_space<vmem>>, %arg3: memref<2x200x128xf32, #tpu.memory_space<vmem>>, %arg4: memref<200x128xf32, #tpu.memory_space<vmem>>) attributes {dimension_semantics = [#tpu.dimension_semantics<arbitrary>], iteration_bounds = array<i64: 50>, scalar_prefetch = 0 : i64, scratch_operands = 0 : i64, tpu.core_type = #tpu.core_type<tc>, window_params = [{transform_indices = @transform_0, window_bounds = array<i64: 200, 128>}, {pipeline_mode = #tpu.pipeline_mode<synchronous>, transform_indices = @transform_1, window_bounds = array<i64: 128, 128>}, {transform_indices = @transform_2, window_bounds = array<i64: 2, 200, 128>}, {transform_indices = @transform_3, window_bounds = array<i64: 200, 128>}]} {
    %get3A = arith.constant 0 : index
    %get3A_0 = arith.constant 0 : index
    %get3A_1 = vector.load %arg1[%get3A, %get3A_0] : memref<200x128xf32, #tpu.memory_space<vmem>>, vector<200x128xf32>
    %get3A_2 = arith.constant 0 : index
    %get3A_3 = arith.constant 0 : index
    %get3A_4 = vector.load %arg2[%get3A_2, %get3A_3] : memref<128x128xf32, #tpu.memory_space<vmem>>, vector<128x128xf32>
    %dot_general3A = arith.constant dense<0.000000e+00> : vector<200x128xf32>
    %dot_general3A_5 = tpu.matmul %get3A_1, %get3A_4, %dot_general3A {dimension_numbers = #tpu.dot_dimension_numbers<[1], [0], [0], [1], [0, 0, 1, 1], [], []>, transpose_lhs_hint = false} : vector<200x128xf32>, vector<128x128xf32>, vector<200x128xf32> -> vector<200x128xf32>
    %get3A_6 = arith.constant 0 : index
    %get3A_7 = arith.constant 0 : index
    %get3A_8 = arith.constant 0 : index
    %get3A_9 = vector.load %arg3[%get3A_6, %get3A_7, %get3A_8] : memref<2x200x128xf32, #tpu.memory_space<vmem>>, vector<1x200x128xf32>
    %get3A_10 = vector.shape_cast %get3A_9 : vector<1x200x128xf32> to vector<200x128xf32>
    %add3A = arith.addf %dot_general3A_5, %get3A_10 : vector<200x128xf32>
    %get3A_11 = arith.constant 1 : index
    %get3A_12 = arith.constant 0 : index
    %get3A_13 = arith.constant 0 : index
    %get3A_14 = vector.load %arg3[%get3A_11, %get3A_12, %get3A_13] : memref<2x200x128xf32, #tpu.memory_space<vmem>>, vector<1x200x128xf32>
    %get3A_15 = vector.shape_cast %get3A_14 : vector<1x200x128xf32> to vector<200x128xf32>
    %add3A_16 = arith.addf %add3A, %get3A_15 : vector<200x128xf32>
    %swap3A = arith.constant 0 : index
    %swap3A_17 = arith.constant 0 : index
    %swap3A_18 = vector.load %arg4[%swap3A, %swap3A_17] : memref<200x128xf32, #tpu.memory_space<vmem>>, vector<200x128xf32>
    tpu.vector_store %arg4[%swap3A, %swap3A_17], %add3A_16 {strides = array<i32>} : memref<200x128xf32, #tpu.memory_space<vmem>>, vector<200x128xf32>,
    return
  }
  func.func @transform_0(%arg0: i32) -> (i32, i32) {
    %c0_i32 = arith.constant 0 : i32
    %c0_i32_0 = arith.constant 0 : i32
    return %arg0, %c0_i32 : i32, i32
  }
  func.func @transform_1(%arg0: i32) -> (i32, i32) {
    %c0_i32 = arith.constant 0 : i32
    %c0_i32_0 = arith.constant 0 : i32
    %c0_i32_1 = arith.constant 0 : i32
    return %c0_i32, %c0_i32_0 : i32, i32
  }
  func.func @transform_2(%arg0: i32) -> (i32, i32, i32) {
    %c0_i32 = arith.constant 0 : i32
    %c0_i32_0 = arith.constant 0 : i32
    %c0_i32_1 = arith.constant 0 : i32
    return %c0_i32, %arg0, %c0_i32_0 : i32, i32, i32
  }
  func.func @transform_3(%arg0: i32) -> (i32, i32) {
    %c0_i32 = arith.constant 0 : i32
    %c0_i32_0 = arith.constant 0 : i32
    return %arg0, %c0_i32 : i32, i32
  }
}

</mosaic_0001>

<sc_bundles>
// kernel: kernel.6.cloned.1.call-start
scs
__scs_entry_jumppad:
0x0: {  	(pc) =	sbr.rel $0x88, $3  }
0x1: {  	(tag) =	ssettag $0x0;
	lr =	simm.s32 $0x1  }
0x2: {  	[smem:$0x3F9A] =	sst lr;
	_ =	strace $0xD0000000  }
0x3: {  	_ = 	snop  }
0x4: {  	_ = 	snop  }
0x5: {  	_ = 	snop  }
0x6: {  	_ = 	snop  }
0x7: {  	_ = 	snop  }
__scs_overlays_trampoline_lowered:
0x8: {  	[smem:$0x3FA9] =	sst s0  }
0x9: {  	[smem:$0x3FAA] =	sst s1  }
0xa: {  	[smem:$0x3FAB] =	sst s2  }
0xb: {  	[smem:$0x3FAC] =	sst s3  }
0xc: {  	[smem:$0x3FAD] =	sst s4  }
0xd: {  	[smem:$0x3FAE] =	sst s5  }
0xe: {  	[smem:$0x3FAF] =	sst s6  }
0xf: {  	[smem:$0x3FB0] =	sst s7  }
0x10: {  	[smem:$0x3FB1] =	sst s8  }
0x11: {  	[smem:$0x3FB2] =	sst s9;
	s0 =	simm.s32 @!p0 $0x0  }
0x12: {  	s1 =	sld [smem:$0x3F98];
	s0 =	simm.s32 @p0 $0x1  }
0x13: {  	[smem:$0x3FB3] =	sst s0;
	s0 =	simm.s32 @!p1 $0x0  }
0x14: {  	s2 =	sld [smem:$0x3F97];
	s0 =	simm.s32 @p1 $0x1  }
0x15: {  	[smem:$0x3FB4] =	sst s0;
	s0 =	simm.s32 @!p2 $0x0  }
0x16: {  	s3 =	sld [smem:$0x3FDB];
	s0 =	simm.s32 @p2 $0x1  }
0x17: {  	s4 =	simm.s32 $0x1BF5;
	[smem:$0x3FB6] =	sst s0  }
0x18: {  	s0 =	sld [smem:$0x3F99];
	_ =	swait.ge [sflag:s4], $0x0  }
0x19: {  	s7 =	sld [smem:$0x3F9A]  }
0x1a: {  	s8 =	sadd.s32 $0xFFFFE003, lr  }
0x1b: {  	s9 =	sadd.s32 $0xFFFFFEF7, lr;
	s5 =	simm.s32 $0xFFFFFFFF;
	p2 =	slt.u32 s8, $0xFFFFF086  }
0x1c: {  	p1 =	slt.u32 s9, $0xF7A;
	s5 =	simm.s32 @!p2 $0x0  }
0x1d: {  	s5 =	simm.s32 @p1 $0x1;
	p0 =	seq.s32 s7, s2  }
0x1e: {  	s7 =	smul.u32 @!p0 $0xF7A, s2;
	p2 =	seq.s32 @!p0 s5, $0x0  }
0x1f: {  	s9 =	smul.u32 $0xF7A, s1;
	s8 =	simm.s32 @!p0 $0x1BF5;
	p2 =	por !p2, p0  }
0x20: {  	[sflag:s8] =	ssyncset.s32 @!p0 $0xFFFFF086;
	s6 =	sadd.s32 @!p0 s3, s7;
	s7 =	simm.s32 @!p0 $0x108  }
0x21: {  	s3 =	sadd.s32 s3, s9;
	s6 =	sadd.s32 @!p0 $0x88, s6;
	s7 =	simm.s32 @p2 $0x1082  }
0x22: {  	[simem:s7], [sflag:s8] =	dma.local @!p0 [hbm:s6], $0xF7A  }
0x23: {  	s9 =	sor.u32 $0xD0000000, s2;
	s6 =	simm.s32 $0x108;
	_ =	swait.ge @!p0 [sflag:s8], $0x0  }
0x24: {  	s3 =	sadd.s32 $0x88, s3;
	s6 =	simm.s32 @!p1 $0x1082;
	[sflag:s4] =	ssyncset.s32 $0xFFFFF086  }
0x25: {  	[simem:s6], [sflag:s4] =	dma.local [hbm:s3], $0xF7A  }
0x26: {  	[smem:$0x3F9A] =	sst s1;
	(tag) =	ssettag s2;
	_ =	strace s9  }
0x27: {  	s1 =	sld [smem:$0x3FAA]  }
0x28: {  	s2 =	sld [smem:$0x3FAB]  }
0x29: {  	s4 =	sld [smem:$0x3FAD]  }
0x2a: {  	p0 =	seq.s32 s5, $0x0;
	s5 =	sld [smem:$0x3FAE]  }
0x2b: {  	s6 =	sld [smem:$0x3FAF]  }
0x2c: {  	s7 =	sld [smem:$0x3FB0]  }
0x2d: {  	s3 =	simm.s32 $0x108;
	s8 =	sld [smem:$0x3FB1]  }
0x2e: {  	s3 =	simm.s32 @!p0 $0x1082;
	s9 =	sld [smem:$0x3FB2]  }
0x2f: {  	lr =	sadd.s32 s0, s3;
	s0 =	sld [smem:$0x3FA9]  }
0x30: {  	s3 =	sld [smem:$0x3FAC]  }
0x31: {  	[smem:$0x3FB5] =	sst s10  }
0x32: {  	s10 =	sld [smem:$0x3FB3];
	_ =	sdelay $0x3  }
0x33: {  	p0 =	seq.s32 s10, $0x1;
	s10 =	sld [smem:$0x3FB5];
	_ =	sdelay $0x3  }
0x34: {  	[smem:$0x3FB5] =	sst s10  }
0x35: {  	s10 =	sld [smem:$0x3FB4];
	_ =	sdelay $0x3  }
0x36: {  	p1 =	seq.s32 s10, $0x1;
	s10 =	sld [smem:$0x3FB5];
	_ =	sdelay $0x3  }
0x37: {  	[smem:$0x3FB5] =	sst s10  }
0x38: {  	s10 =	sld [smem:$0x3FB6]  }
0x39: {  	_ = 	snop;
	(pc) =	sbr.ind lr, $3  }
0x3a: {  	_ = 	snop  }
0x3b: {  	_ = 	snop  }
0x3c: {  	p2 =	seq.s32 s10, $0x1;
	s10 =	sld [smem:$0x3FB5]  }
0x3d: {  	_ =	shalt  }
0x3e: {  	_ =	shalt  }
0x3f: {  	_ =	shalt  }
0x40: {  	_ =	shalt  }
0x41: {  	_ =	shalt  }
0x42: {  	_ =	shalt  }
0x43: {  	_ =	shalt  }
0x44: {  	_ =	shalt  }
0x45: {  	_ =	shalt  }
0x46: {  	_ =	shalt  }
0x47: {  	_ =	shalt  }
0x48: {  	_ =	shalt  }
0x49: {  	_ =	shalt  }
0x4a: {  	_ =	shalt  }
0x4b: {  	_ =	shalt  }
0x4c: {  	_ =	shalt  }
0x4d: {  	_ =	shalt  }
0x4e: {  	_ =	shalt  }
0x4f: {  	_ =	shalt  }
0x50: {  	_ =	shalt  }
0x51: {  	_ =	shalt  }
0x52: {  	_ =	shalt  }
0x53: {  	_ =	shalt  }
0x54: {  	_ =	shalt  }
0x55: {  	_ =	shalt  }
0x56: {  	_ =	shalt  }
0x57: {  	_ =	shalt  }
0x58: {  	_ =	shalt  }
0x59: {  	_ =	shalt  }
0x5a: {  	_ =	shalt  }
0x5b: {  	_ =	shalt  }
0x5c: {  	_ =	shalt  }
0x5d: {  	_ =	shalt  }
0x5e: {  	_ =	shalt  }
0x5f: {  	_ =	shalt  }
0x60: {  	_ =	shalt  }
0x61: {  	_ =	shalt  }
0x62: {  	_ =	shalt  }
0x63: {  	_ =	shalt  }
0x64: {  	_ =	shalt  }
0x65: {  	_ =	shalt  }
0x66: {  	_ =	shalt  }
0x67: {  	_ =	shalt  }
0x68: {  	_ =	shalt  }
0x69: {  	_ =	shalt  }
0x6a: {  	_ =	shalt  }
0x6b: {  	_ =	shalt  }
0x6c: {  	_ =	shalt  }
0x6d: {  	_ =	shalt  }
0x6e: {  	_ =	shalt  }
0x6f: {  	_ =	shalt  }
0x70: {  	_ =	shalt  }
0x71: {  	_ =	shalt  }
0x72: {  	_ =	shalt  }
0x73: {  	_ =	shalt  }
0x74: {  	_ =	shalt  }
0x75: {  	_ =	shalt  }
0x76: {  	_ =	shalt  }
0x77: {  	_ =	shalt  }
0x78: {  	_ =	shalt  }
0x79: {  	_ =	shalt  }
0x7a: {  	_ =	shalt  }
0x7b: {  	_ =	shalt  }
0x7c: {  	_ =	shalt  }
0x7d: {  	_ =	shalt  }
0x7e: {  	_ =	shalt  }
0x7f: {  	_ =	shalt  }
0x80: {  	_ =	shalt  }
0x81: {  	_ =	shalt  }
0x82: {  	_ =	shalt  }
0x83: {  	_ =	shalt  }
0x84: {  	_ =	shalt  }
0x85: {  	_ =	shalt  }
0x86: {  	_ =	shalt  }
0x87: {  	_ =	shalt  }
.Lfunc_end0:
.L_simem_size_0:
called_computation_lowered:
.L_overlay_start_0:
0x88: {  	s2 =	sld [smem:$0x3FD9]  }
0x89: {  	s3 =	sld [smem:$0x3FFE];
	_ =	sdelay $0x1  }
0x8a: {  	s1 =	srdreg.scid  }
0x8b: {  	s0 =	sand.u32 $0x1, s1  }
0x8c: {  	s17 =	sshll.u32 s0, $0xA;
	s2 =	sadd.s32 s3, s2  }
0x8d: {  	s2 =	sadd.s32 s2, s17  }
0x8e: {  	[smem:$0x3FC1] =	sst s2  }
0x8f: {  	_ = 	snop  }
0x90: {  	s2 =	sld [smem:$0x3FD0];
	(tm) =	ssettm $0x1  }
0x91: {  	s18 =	sld [smem:$0x3FFB];
	_ =	sdelay $0x3  }
0x92: {  	_ =	strace s18  }
0x93: {  	s3 =	sld [smem:$0x3FFC];
	_ =	sdelay $0x3  }
0x94: {  	_ =	strace s3  }
0x95: {  	s3 =	sld [smem:$0x3FFD];
	_ =	sdelay $0x3  }
0x96: {  	_ =	strace s3  }
0x97: {  	_ =	strace $0x8FFFFFFF  }
0x98: {  	s19 =	sld [smem:$0x3FDB];
	_ =	sdelay $0x1  }
0x99: {  	s4 =	simm.s32 $_scs_section_size  }
0x9a: {  	s5 =	simm.s32 $_size__tile_overlayer_lowered;
	s6 =	simm.s32 $_tile_overlayer_lowered  }
0x9b: {  	s22 =	simm.s32 $0x1BFF;
	s21 =	sshll.u32 s6, $0x1;
	s3 =	sadd.s32 s4, s19  }
0x9c: {  	s7 =	simm.s32 $0x0;
	s20 =	sshll.u32 s5, $0x1;
	s5 =	sadd.s32 s21, s3  }
0x9d: {  	[timem:s7], [sflag:s22] =	dma.local [hbm:s5], s20  }
0x9e: {  	_ =	swait.ge [sflag:s22], s20  }
0x9f: {  	s4 =	ssub.s32 $0x0, s20;
	[sflag:s22] =	ssyncset.done $0x0  }
0xa0: {  	[sflag:s22] =	ssyncadd.s32 s4;
	_ =	sdelay $0x1  }
0xa1: {  	s23 =	simm.s32 $0x1B8B  }
0xa2: {  	_ =	swait.ge [sflag:s23], $0x1  }
0xa3: {  	[sflag:s23] =	ssyncset.done $0x0  }
0xa4: {  	s25 =	simm.s32 $0x1B8E;
	s24 =	sld [smem:$0x3FFE];
	[sflag:s23] =	ssyncadd.s32 $0xFFFFFFFF  }
0xa5: {  	s26 =	simm.s32 $execute0_lowered;
	[smem:$0x3FD2] =	sst s25  }
0xa6: {  	s5 =	sshll.u32 s26, $0x1;
	_ =	strace $0x80000046;
	[dreg:$0x1] =	wrdreg $0xFFFFFFFF  }
0xa7: {  	s28 =	simm.s32 $_size_execute0_lowered;
	s3 =	sadd.s32 s3, s5;
	[dreg:$0x0] =	wrdreg $0x0  }
0xa8: {  	s5 =	sshll.u32 s28, $0x1;
	[dreg:$0x2] =	wrdreg s3  }
0xa9: {  	[dreg:$0x3] =	wrdreg s5  }
0xaa: {  	[dreg:$0x4] =	wrdreg $0xC0  }
0xab: {  	_ =	task [dreg:s7], $0x5FFFF  }
0xac: {  	[dreg:$0x1] =	wrdreg $0xFFFFFFFF  }
0xad: {  	[dreg:$0x0] =	wrdreg $0x60  }
0xae: {  	[dreg:$0x2] =	wrdreg s24  }
0xaf: {  	[dreg:$0x3] =	wrdreg s2  }
0xb0: {  	[dreg:$0x4] =	wrdreg $0x90000  }
0xb1: {  	[dreg:$0x5] =	wrdreg $0x9  }
0xb2: {  	_ =	task.clear_ibuf [dreg:s7], $0x6FFFF;
	_ =	strace $0x90000046  }
0xb3: {  	s29 =	simm.s32 $0x9;
	_ =	strace $0x80000048  }
0xb4: {  	_ =	swait.ge [sflag:s29], $0x1  }
0xb5: {  	[sflag:s29] =	ssyncadd.s32 $0xFFFFFFFF  }
0xb6: {  	_ =	strace $0x90000048  }
0xb7: {  	_ =	sfence  }
0xb8: {  	s30 =	sld [smem:$0x0];
	_ =	sdelay $0x2  }
0xb9: {  	s31 =	sshll.u32 s1, $0xD;
	s1 =	sshrl.u32 s1, $0x2  }
0xba: {  	s3 =	sand.u32 $0x4000, s31;
	s1 =	sadd.s32 s1, s30  }
0xbb: {  	s0 =	sor.u32 s3, s0;
	s1 =	sshll.u32 s1, $0x11  }
0xbc: {  	s0 =	sor.u32 s1, s0  }
0xbd: {  	s0 =	sadd.s32 $0x8F2B, s0  }
0xbe: {  	[sflag:s0] =	ssyncadd.remote.s32 $0x1  }
0xbf: {  	_ =	sfence.sel $0xFFFF  }
0xc0: {  	[dreg:$0x0] =	wrdreg $0xFFFFFFFF;
	(pc) =	sbr.abs _section_cstart, $3  }
0xc1: {  	[dreg:$0x1] =	wrdreg $0xFFFFFFFF  }
0xc2: {  	_ =	task.clear_ibuf [dreg:s7], $0x2FFFF;
	_ =	strace $0x9FFFFFFF  }
0xc3: {  	(tm) =	ssettm $0x7FFFFFFF  }
tec
execute0_lowered:
.L_overlay_start_1:
0x0: {  	(tag) =	ssettag $0x1  }
0x1: {  	s0 =	rddreg [dreg:$0x0]  }
0x2: {  	s1 =	srdreg.scid;
	s5 =	rddreg [dreg:$0x1]  }
0x3: {  	s10 =	stileid.u32;
	s2 =	rddreg [dreg:$0x2]  }
0x4: {  	s3 =	simm.s32 $0x0;
	s12 =	simm.s32 $0x880;
	s14 =	simm.s32 $0x900  }
0x5: {  	s16 =	simm.s32 $0x980;
	s18 =	simm.s32 $0x100;
	[smem:$0x7FF] =	sst s3  }
0x6: {  	s19 =	simm.s32 $0xA00;
	_ =	strace $0x80000047;
	[dreg:$0x6] =	wrdreg s12  }
0x7: {  	s20 =	simm.s32 $0x180;
	s21 =	simm.s32 $0xA80;
	[dreg:$0x7] =	wrdreg s14  }
0x8: {  	s22 =	simm.s32 $0x200;
	s23 =	simm.s32 $0xB00;
	[dreg:$0x8] =	wrdreg s16  }
0x9: {  	s24 =	simm.s32 $0x280;
	s25 =	simm.s32 $0xB80;
	[dreg:$0x9] =	wrdreg s18  }
0xa: {  	s28 =	simm.s32 $0xE00;
	s6 =	smul.u32 $0x2710, s10;
	[dreg:$0xa] =	wrdreg s19  }
0xb: {  	s29 =	simm.s32 $0x580;
	s8 =	smul.u32 $0x14000, s10;
	[dreg:$0xb] =	wrdreg s20  }
0xc: {  	s1 =	sand.u32 $0x1, s1;
	s10 =	smul.u32 $0x50000, s10;
	[dreg:$0xc] =	wrdreg s21  }
0xd: {  	s30 =	simm.s32 $0xE80;
	s4 =	smul.u32 $0x27100, s1;
	[dreg:$0xd] =	wrdreg s22  }
0xe: {  	s31 =	simm.s32 $0x600;
	s7 =	smul.u32 $0x140000, s1;
	[dreg:$0xe] =	wrdreg s23  }
0xf: {  	s1 =	ssub.s32 $0x2, s1;
	s12 =	simm.s32 $0x1000;
	[dreg:$0xf] =	wrdreg s24  }
0x10: {  	s14 =	simm.s32 $0x800;
	s16 =	simm.s32 $0x5000;
	[dreg:$0x10] =	wrdreg s25  }
0x11: {  	s18 =	simm.s32 $0x2;
	s19 =	simm.s32 $0xC00;
	s20 =	simm.s32 $0x380  }
0x12: {  	s21 =	simm.s32 $0xC80;
	s22 =	simm.s32 $0x400;
	s23 =	simm.s32 $0xD00  }
0x13: {  	s24 =	simm.s32 $0x480;
	s25 =	simm.s32 $0xD80;
	s26 =	sshrl.u32 s1, $0x1  }
0x14: {  	s10 =	sshrl.u32 s10, $0x2;
	s6 =	sadd.s32 s6, s4;
	s4 =	sadd.s32 $0xA800, s0  }
0x15: {  	s7 =	sadd.s32 s8, s7;
	s1 =	ssub.s32 s1, s26;
	s11 =	sadd.s32 s10, s2  }
0x16: {  	s26 =	simm.s32 $0x300;
	s8 =	simm.s32 $0x780;
	s6 =	sshrl.u32 s6, $0x3  }
0x17: {  	s7 =	sshrl.u32 s7, $0x3;
	s13 =	sadd.s32 $0x4000, s11;
	[dreg:$0x12] =	wrdreg s11  }
0x18: {  	s15 =	sadd.s32 $0x8000, s11;
	s17 =	sadd.s32 $0xC000, s11;
	[dreg:$0x11] =	wrdreg s26  }
0x19: {  	s1 =	smax.u32 s1, $0x1;
	s26 =	simm.s32 $0x500;
	[dreg:$0x13] =	wrdreg s13  }
0x1a: {  	s9 =	sadd.s32 s6, s0;
	s0 =	sadd.s32 s7, s0;
	[dreg:$0x14] =	wrdreg s15  }
0x1b: {  	s6 =	sadd.s32 s6, s5;
	[dreg:$0x15] =	wrdreg s17;
	s5 =	sadd.s32 $0x10000, s11  }
0x1c: {  	[dreg:$0x18] =	wrdreg s1;
	s13 =	simm.s32 $0x3;
	s15 =	simm.s32 $0x80  }
0x1d: {  	s17 =	simm.s32 $0x1;
	s1 =	simm.s32 $0xF00;
	[dreg:$0x5] =	wrdreg s6  }
0x1e: {  	s7 =	simm.s32 $0x700;
	s9 =	sadd.s32 $0xA00, s9;
	[dreg:$0x16] =	wrdreg s5  }
0x1f: {  	s0 =	sadd.s32 $0x27B800, s0;
	s6 =	simm.s32 $0xF80;
	[dreg:$0x4] =	wrdreg s9  }
0x20: {  	v0 =	vimm.f32 $0.0e+00;
	v1 =	vimm.s32 $0x2750;
	v2 =	vimm.s32 $0x0;
	[dreg:$0x17] =	wrdreg s0;
	s0 =	simm.s32 $0x680;
	s9 =	simm.s32 $0x0  }
.LBB2_1:
0x21: {  	s10 =	simm.s32 $0x0;
	s11 =	simm.s32 $0x200  }
.LBB2_2:
0x22: {  	p0 =	sne.s32 s11, $0xFE00;
	[tilespmem:s10+$0x1070] =	vst v0  }
0x23: {  	[tilespmem:s10+$0x1000] =	vst v0  }
0x24: {  	[tilespmem:s10+$0x1010] =	vst v0  }
.Ltmp0:
0x25: {  	[tilespmem:s10+$0x1020] =	vst v0;
	(pc) =	sbr.rel @p0 .LBB2_2-.Ltmp0, $4  }
0x26: {  	[tilespmem:s10+$0x1030] =	vst v0  }
0x27: {  	[tilespmem:s10+$0x1040] =	vst v0  }
0x28: {  	[tilespmem:s10+$0x1050] =	vst v0  }
0x29: {  	[tilespmem:s10+$0x1060] =	vst v0;
	s10 =	sshra.s32 s11, $0x2;
	s11 =	sadd.s32 $0x200, s11  }
0x2a: {  	[tilespmem:s10+$0x1070] =	vst v0  }
0x2b: {  	[tilespmem:s10+$0x1000] =	vst v0  }
0x2c: {  	[tilespmem:s10+$0x1010] =	vst v0  }
0x2d: {  	[tilespmem:s10+$0x1020] =	vst v0  }
0x2e: {  	[tilespmem:s10+$0x1030] =	vst v0  }
0x2f: {  	[tilespmem:s10+$0x1040] =	vst v0  }
0x30: {  	[tilespmem:s10+$0x1050] =	vst v0  }
0x31: {  	[tilespmem:s10+$0x1060] =	vst v0;
	s5 =	rddreg [dreg:$0x12]  }
0x32: {  	[spmem:s5] =	stream.linear.scatter [tilespmem:s12], [sflag:$0x3], $0x4000, $0x38;
	[tilespmem:$0x1D000] =	vst v63  }
0x33: {  	_ =	swait.ge [sflag:s13], $0x4000  }
0x34: {  	[sflag:s13] =	ssyncset.done $0x0  }
0x35: {  	s10 =	rddreg [dreg:$0x13];
	[sflag:s13] =	ssyncadd.s32 $0xFFFFC000  }
0x36: {  	[spmem:s10] =	stream.linear.scatter [tilespmem:s12], [sflag:$0x3], $0x4000, $0x38;
	[tilespmem:$0x1D000] =	vst v63  }
0x37: {  	_ =	swait.ge [sflag:s13], $0x4000  }
0x38: {  	[sflag:s13] =	ssyncset.done $0x0  }
0x39: {  	s11 =	rddreg [dreg:$0x14];
	[sflag:s13] =	ssyncadd.s32 $0xFFFFC000  }
0x3a: {  	[spmem:s11] =	stream.linear.scatter [tilespmem:s12], [sflag:$0x3], $0x4000, $0x38;
	[tilespmem:$0x1D000] =	vst v63  }
0x3b: {  	_ =	swait.ge [sflag:s13], $0x4000  }
0x3c: {  	[sflag:s13] =	ssyncset.done $0x0  }
0x3d: {  	s10 =	rddreg [dreg:$0x15];
	[sflag:s13] =	ssyncadd.s32 $0xFFFFC000  }
0x3e: {  	[spmem:s10] =	stream.linear.scatter [tilespmem:s12], [sflag:$0x3], $0x4000, $0x38;
	[tilespmem:$0x1D000] =	vst v63  }
0x3f: {  	_ =	swait.ge [sflag:s13], $0x4000  }
0x40: {  	[sflag:s13] =	ssyncset.done $0x0  }
0x41: {  	s11 =	rddreg [dreg:$0x16];
	[sflag:s13] =	ssyncadd.s32 $0xFFFFC000  }
0x42: {  	[spmem:s11] =	stream.linear.scatter [tilespmem:s12], [sflag:$0x3], $0x4000, $0x38;
	[tilespmem:$0x1D000] =	vst v63  }
0x43: {  	_ =	swait.ge [sflag:s13], $0x4000  }
0x44: {  	[sflag:s13] =	ssyncset.done $0x0  }
0x45: {  	[sflag:s13] =	ssyncadd.s32 $0xFFFFC000  }
0x46: {  	[bflag:$0x0] =	sbarrier.arrive $0xFFFF  }
0x47: {  	s5 =	rddreg [dreg:$0x5]  }
0x48: {  	s10 =	sadd.s32 $0x0, s5  }
0x49: {  	[tilespmem:s3], [sflag:$0x3] =	stream.linear.gather [hbm4b:s10+s3], $0x7D0, $0x38;
	[tilespmem:$0x1D000] =	vst v63  }
0x4a: {  	_ =	swait.ge [sflag:s13], $0x7D0  }
0x4b: {  	s11 =	rddreg [dreg:$0x4];
	[sflag:s13] =	ssyncset.done $0x0  }
0x4c: {  	[sflag:s13] =	ssyncadd.s32 $0xFFFFF830;
	s10 =	sadd.s32 $0x0, s11  }
0x4d: {  	[tilespmem:s14], [sflag:$0x3] =	stream.linear.gather [hbm4b:s10+s3], $0x7D0, $0x38;
	[tilespmem:$0x1D000] =	vst v63  }
0x4e: {  	_ =	swait.ge [sflag:s13], $0x7D0  }
0x4f: {  	[sflag:s13] =	ssyncset.done $0x0  }
0x50: {  	[sflag:s13] =	ssyncadd.s32 $0xFFFFF830  }
0x51: {  	[tilespmem:$0xFF0] =	vst v2  }
0x52: {  	[tilespmem:$0x7F0] =	vst v1  }
0x53: {  	[tilespmem:$0xFE0] =	vst v2  }
0x54: {  	[tilespmem:$0x7E0] =	vst v1  }
0x55: {  	[tilespmem:$0x7D0] =	vst v1  }
0x56: {  	[tilespmem:$0xFD0] =	vst v2  }
0x57: {  	[tilespmem:s12], [sflag:$0x1] =	stream.indirect.gather [hbm4b:s4+s15], $0x80, s14, s15, $0xb8;
	[tilespmem:$0x1D000] =	vst v63  }
0x58: {  	s5 =	rddreg [dreg:$0x6]  }
0x59: {  	[tilespmem:s16], [sflag:$0x2] =	stream.indirect.gather [hbm4b:s4+s15], $0x80, s5, s15, $0xb8;
	[tilespmem:$0x1D000] =	vst v63  }
0x5a: {  	_ =	swait.ge [sflag:s17], $0x4000  }
0x5b: {  	[sflag:s17] =	ssyncset.done $0x0  }
0x5c: {  	[sflag:s17] =	ssyncadd.s32 $0xFFFFC000  }
0x5d: {  	[spmem:s2] =	stream.indirect.scatter.add.f32 [tilespmem:s12], [sflag:$0x3], $0x80, s3, s15, $0xb8;
	[tilespmem:$0x1D000] =	vst v63  }
0x5e: {  	_ =	swait.ge [sflag:s13], $0x4000  }
0x5f: {  	[sflag:s13] =	ssyncset.done $0x0  }
0x60: {  	s11 =	rddreg [dreg:$0x7];
	[sflag:s13] =	ssyncadd.s32 $0xFFFFC000  }
0x61: {  	[tilespmem:s12], [sflag:$0x1] =	stream.indirect.gather [hbm4b:s4+s15], $0x80, s11, s15, $0xb8;
	[tilespmem:$0x1D000] =	vst v63  }
0x62: {  	_ =	swait.ge [sflag:s18], $0x4000  }
0x63: {  	[sflag:s18] =	ssyncset.done $0x0  }
0x64: {  	[sflag:s18] =	ssyncadd.s32 $0xFFFFC000  }
0x65: {  	[spmem:s2] =	stream.indirect.scatter.add.f32 [tilespmem:s16], [sflag:$0x3], $0x80, s15, s15, $0xb8;
	[tilespmem:$0x1D000] =	vst v63  }
0x66: {  	_ =	swait.ge [sflag:s13], $0x4000  }
0x67: {  	[sflag:s13] =	ssyncset.done $0x0  }
0x68: {  	s5 =	rddreg [dreg:$0x8];
	[sflag:s13] =	ssyncadd.s32 $0xFFFFC000  }
0x69: {  	[tilespmem:s16], [sflag:$0x2] =	stream.indirect.gather [hbm4b:s4+s15], $0x80, s5, s15, $0xb8;
	[tilespmem:$0x1D000] =	vst v63  }
0x6a: {  	_ =	swait.ge [sflag:s17], $0x4000  }
0x6b: {  	[sflag:s17] =	ssyncset.done $0x0  }
0x6c: {  	s11 =	rddreg [dreg:$0x9];
	[sflag:s17] =	ssyncadd.s32 $0xFFFFC000  }
0x6d: {  	[spmem:s2] =	stream.indirect.scatter.add.f32 [tilespmem:s12], [sflag:$0x3], $0x80, s11, s15, $0xb8;
	[tilespmem:$0x1D000] =	vst v63  }
0x6e: {  	_ =	swait.ge [sflag:s13], $0x4000  }
0x6f: {  	[sflag:s13] =	ssyncset.done $0x0  }
0x70: {  	s5 =	rddreg [dreg:$0xa];
	[sflag:s13] =	ssyncadd.s32 $0xFFFFC000  }
0x71: {  	[tilespmem:s12], [sflag:$0x1] =	stream.indirect.gather [hbm4b:s4+s15], $0x80, s5, s15, $0xb8;
	[tilespmem:$0x1D000] =	vst v63  }
0x72: {  	_ =	swait.ge [sflag:s18], $0x4000  }
0x73: {  	[sflag:s18] =	ssyncset.done $0x0  }
0x74: {  	s11 =	rddreg [dreg:$0xb];
	[sflag:s18] =	ssyncadd.s32 $0xFFFFC000  }
0x75: {  	[spmem:s2] =	stream.indirect.scatter.add.f32 [tilespmem:s16], [sflag:$0x3], $0x80, s11, s15, $0xb8;
	[tilespmem:$0x1D000] =	vst v63  }
0x76: {  	_ =	swait.ge [sflag:s13], $0x4000  }
0x77: {  	[sflag:s13] =	ssyncset.done $0x0  }
0x78: {  	s5 =	rddreg [dreg:$0xc];
	[sflag:s13] =	ssyncadd.s32 $0xFFFFC000  }
0x79: {  	[tilespmem:s16], [sflag:$0x2] =	stream.indirect.gather [hbm4b:s4+s15], $0x80, s5, s15, $0xb8;
	[tilespmem:$0x1D000] =	vst v63  }
0x7a: {  	_ =	swait.ge [sflag:s17], $0x4000  }
0x7b: {  	[sflag:s17] =	ssyncset.done $0x0  }
0x7c: {  	s11 =	rddreg [dreg:$0xd];
	[sflag:s17] =	ssyncadd.s32 $0xFFFFC000  }
0x7d: {  	[spmem:s2] =	stream.indirect.scatter.add.f32 [tilespmem:s12], [sflag:$0x3], $0x80, s11, s15, $0xb8;
	[tilespmem:$0x1D000] =	vst v63  }
0x7e: {  	_ =	swait.ge [sflag:s13], $0x4000  }
0x7f: {  	[sflag:s13] =	ssyncset.done $0x0  }
0x80: {  	s5 =	rddreg [dreg:$0xe];
	[sflag:s13] =	ssyncadd.s32 $0xFFFFC000  }
0x81: {  	[tilespmem:s12], [sflag:$0x1] =	stream.indirect.gather [hbm4b:s4+s15], $0x80, s5, s15, $0xb8;
	[tilespmem:$0x1D000] =	vst v63  }
0x82: {  	_ =	swait.ge [sflag:s18], $0x4000  }
0x83: {  	[sflag:s18] =	ssyncset.done $0x0  }
0x84: {  	s11 =	rddreg [dreg:$0xf];
	[sflag:s18] =	ssyncadd.s32 $0xFFFFC000  }
0x85: {  	[spmem:s2] =	stream.indirect.scatter.add.f32 [tilespmem:s16], [sflag:$0x3], $0x80, s11, s15, $0xb8;
	[tilespmem:$0x1D000] =	vst v63  }
0x86: {  	_ =	swait.ge [sflag:s13], $0x4000  }
0x87: {  	[sflag:s13] =	ssyncset.done $0x0  }
0x88: {  	s5 =	rddreg [dreg:$0x10];
	[sflag:s13] =	ssyncadd.s32 $0xFFFFC000  }
0x89: {  	[tilespmem:s16], [sflag:$0x2] =	stream.indirect.gather [hbm4b:s4+s15], $0x80, s5, s15, $0xb8;
	[tilespmem:$0x1D000] =	vst v63  }
0x8a: {  	_ =	swait.ge [sflag:s17], $0x4000  }
0x8b: {  	[sflag:s17] =	ssyncset.done $0x0  }
0x8c: {  	s11 =	rddreg [dreg:$0x11];
	[sflag:s17] =	ssyncadd.s32 $0xFFFFC000  }
0x8d: {  	[spmem:s2] =	stream.indirect.scatter.add.f32 [tilespmem:s12], [sflag:$0x3], $0x80, s11, s15, $0xb8;
	[tilespmem:$0x1D000] =	vst v63  }
0x8e: {  	_ =	swait.ge [sflag:s13], $0x4000  }
0x8f: {  	[sflag:s13] =	ssyncset.done $0x0  }
0x90: {  	[sflag:s13] =	ssyncadd.s32 $0xFFFFC000  }
0x91: {  	[tilespmem:s12], [sflag:$0x1] =	stream.indirect.gather [hbm4b:s4+s15], $0x80, s19, s15, $0xb8;
	[tilespmem:$0x1D000] =	vst v63  }
0x92: {  	_ =	swait.ge [sflag:s18], $0x4000  }
0x93: {  	[sflag:s18] =	ssyncset.done $0x0  }
0x94: {  	[sflag:s18] =	ssyncadd.s32 $0xFFFFC000  }
0x95: {  	[spmem:s2] =	stream.indirect.scatter.add.f32 [tilespmem:s16], [sflag:$0x3], $0x80, s20, s15, $0xb8;
	[tilespmem:$0x1D000] =	vst v63  }
0x96: {  	_ =	swait.ge [sflag:s13], $0x4000  }
0x97: {  	[sflag:s13] =	ssyncset.done $0x0  }
0x98: {  	[sflag:s13] =	ssyncadd.s32 $0xFFFFC000  }
0x99: {  	[tilespmem:s16], [sflag:$0x2] =	stream.indirect.gather [hbm4b:s4+s15], $0x80, s21, s15, $0xb8;
	[tilespmem:$0x1D000] =	vst v63  }
0x9a: {  	_ =	swait.ge [sflag:s17], $0x4000  }
0x9b: {  	[sflag:s17] =	ssyncset.done $0x0  }
0x9c: {  	[sflag:s17] =	ssyncadd.s32 $0xFFFFC000  }
0x9d: {  	[spmem:s2] =	stream.indirect.scatter.add.f32 [tilespmem:s12], [sflag:$0x3], $0x80, s22, s15, $0xb8;
	[tilespmem:$0x1D000] =	vst v63  }
0x9e: {  	_ =	swait.ge [sflag:s13], $0x4000  }
0x9f: {  	[sflag:s13] =	ssyncset.done $0x0  }
0xa0: {  	[sflag:s13] =	ssyncadd.s32 $0xFFFFC000  }
0xa1: {  	[tilespmem:s12], [sflag:$0x1] =	stream.indirect.gather [hbm4b:s4+s15], $0x80, s23, s15, $0xb8;
	[tilespmem:$0x1D000] =	vst v63  }
0xa2: {  	_ =	swait.ge [sflag:s18], $0x4000  }
0xa3: {  	[sflag:s18] =	ssyncset.done $0x0  }
0xa4: {  	[sflag:s18] =	ssyncadd.s32 $0xFFFFC000  }
0xa5: {  	[spmem:s2] =	stream.indirect.scatter.add.f32 [tilespmem:s16], [sflag:$0x3], $0x80, s24, s15, $0xb8;
	[tilespmem:$0x1D000] =	vst v63  }
0xa6: {  	_ =	swait.ge [sflag:s13], $0x4000  }
0xa7: {  	[sflag:s13] =	ssyncset.done $0x0  }
0xa8: {  	[sflag:s13] =	ssyncadd.s32 $0xFFFFC000  }
0xa9: {  	[tilespmem:s16], [sflag:$0x2] =	stream.indirect.gather [hbm4b:s4+s15], $0x80, s25, s15, $0xb8;
	[tilespmem:$0x1D000] =	vst v63  }
0xaa: {  	_ =	swait.ge [sflag:s17], $0x4000  }
0xab: {  	[sflag:s17] =	ssyncset.done $0x0  }
0xac: {  	[sflag:s17] =	ssyncadd.s32 $0xFFFFC000  }
0xad: {  	[spmem:s2] =	stream.indirect.scatter.add.f32 [tilespmem:s12], [sflag:$0x3], $0x80, s26, s15, $0xb8;
	[tilespmem:$0x1D000] =	vst v63  }
0xae: {  	_ =	swait.ge [sflag:s13], $0x4000  }
0xaf: {  	[sflag:s13] =	ssyncset.done $0x0  }
0xb0: {  	[sflag:s13] =	ssyncadd.s32 $0xFFFFC000  }
0xb1: {  	[tilespmem:s12], [sflag:$0x1] =	stream.indirect.gather [hbm4b:s4+s15], $0x80, s28, s15, $0xb8;
	[tilespmem:$0x1D000] =	vst v63  }
0xb2: {  	_ =	swait.ge [sflag:s18], $0x4000  }
0xb3: {  	[sflag:s18] =	ssyncset.done $0x0  }
0xb4: {  	[sflag:s18] =	ssyncadd.s32 $0xFFFFC000  }
0xb5: {  	[spmem:s2] =	stream.indirect.scatter.add.f32 [tilespmem:s16], [sflag:$0x3], $0x80, s29, s15, $0xb8;
	[tilespmem:$0x1D000] =	vst v63  }
0xb6: {  	_ =	swait.ge [sflag:s13], $0x4000  }
0xb7: {  	[sflag:s13] =	ssyncset.done $0x0  }
0xb8: {  	[sflag:s13] =	ssyncadd.s32 $0xFFFFC000  }
0xb9: {  	[tilespmem:s16], [sflag:$0x2] =	stream.indirect.gather [hbm4b:s4+s15], $0x80, s30, s15, $0xb8;
	[tilespmem:$0x1D000] =	vst v63  }
0xba: {  	_ =	swait.ge [sflag:s17], $0x4000  }
0xbb: {  	[sflag:s17] =	ssyncset.done $0x0  }
0xbc: {  	[sflag:s17] =	ssyncadd.s32 $0xFFFFC000  }
0xbd: {  	[spmem:s2] =	stream.indirect.scatter.add.f32 [tilespmem:s12], [sflag:$0x3], $0x80, s31, s15, $0xb8;
	[tilespmem:$0x1D000] =	vst v63  }
0xbe: {  	_ =	swait.ge [sflag:s13], $0x4000  }
0xbf: {  	[sflag:s13] =	ssyncset.done $0x0  }
0xc0: {  	[sflag:s13] =	ssyncadd.s32 $0xFFFFC000  }
0xc1: {  	[tilespmem:s12], [sflag:$0x1] =	stream.indirect.gather [hbm4b:s4+s15], $0x80, s1, s15, $0xb8;
	[tilespmem:$0x1D000] =	vst v63  }
0xc2: {  	_ =	swait.ge [sflag:s18], $0x4000  }
0xc3: {  	[sflag:s18] =	ssyncset.done $0x0  }
0xc4: {  	[sflag:s18] =	ssyncadd.s32 $0xFFFFC000  }
0xc5: {  	[spmem:s2] =	stream.indirect.scatter.add.f32 [tilespmem:s16], [sflag:$0x3], $0x80, s0, s15, $0xb8;
	[tilespmem:$0x1D000] =	vst v63  }
0xc6: {  	_ =	swait.ge [sflag:s13], $0x4000  }
0xc7: {  	[sflag:s13] =	ssyncset.done $0x0  }
0xc8: {  	[sflag:s13] =	ssyncadd.s32 $0xFFFFC000  }
0xc9: {  	[tilespmem:s16], [sflag:$0x2] =	stream.indirect.gather [hbm4b:s4+s15], $0x80, s6, s15, $0xb8;
	[tilespmem:$0x1D000] =	vst v63  }
0xca: {  	_ =	swait.ge [sflag:s17], $0x4000  }
0xcb: {  	[sflag:s17] =	ssyncset.done $0x0  }
0xcc: {  	[sflag:s17] =	ssyncadd.s32 $0xFFFFC000  }
0xcd: {  	[spmem:s2] =	stream.indirect.scatter.add.f32 [tilespmem:s12], [sflag:$0x3], $0x80, s7, s15, $0xb8;
	[tilespmem:$0x1D000] =	vst v63  }
0xce: {  	_ =	swait.ge [sflag:s13], $0x4000  }
0xcf: {  	[sflag:s13] =	ssyncset.done $0x0  }
0xd0: {  	[sflag:s13] =	ssyncadd.s32 $0xFFFFC000  }
0xd1: {  	s10 =	simm.s32 $0xFA;
	_ =	swait.ge [sflag:s18], $0x4000  }
.LBB2_4:
0xd2: {  	[sflag:s18] =	ssyncset.done $0x0  }
0xd3: {  	[sflag:s18] =	ssyncadd.s32 $0xFFFFC000  }
0xd4: {  	[spmem:s2] =	stream.indirect.scatter.add.f32 [tilespmem:s16], [sflag:$0x3], $0x80, s8, s15, $0xb8;
	[tilespmem:$0x1D000] =	vst v63  }
0xd5: {  	_ =	swait.ge [sflag:s13], $0x4000  }
0xd6: {  	s11 =	smov.u32 s10;
	s5 =	rddreg [dreg:$0x5];
	[sflag:s13] =	ssyncset.done $0x0  }
0xd7: {  	[sflag:s13] =	ssyncadd.s32 $0xFFFFC000;
	s5 =	sadd.s32 s11, s5  }
0xd8: {  	[tilespmem:s3], [sflag:$0x3] =	stream.linear.gather [hbm4b:s5+s3], $0x7D0, $0x38;
	[tilespmem:$0x1D000] =	vst v63  }
0xd9: {  	_ =	swait.ge [sflag:s13], $0x7D0  }
0xda: {  	s5 =	rddreg [dreg:$0x4];
	[sflag:s13] =	ssyncset.done $0x0  }
0xdb: {  	[sflag:s13] =	ssyncadd.s32 $0xFFFFF830;
	s5 =	sadd.s32 s11, s5  }
0xdc: {  	[tilespmem:s14], [sflag:$0x3] =	stream.linear.gather [hbm4b:s5+s3], $0x7D0, $0x38;
	[tilespmem:$0x1D000] =	vst v63  }
0xdd: {  	_ =	swait.ge [sflag:s13], $0x7D0  }
0xde: {  	[sflag:s13] =	ssyncset.done $0x0  }
0xdf: {  	[sflag:s13] =	ssyncadd.s32 $0xFFFFF830  }
0xe0: {  	[tilespmem:$0xFF0] =	vst v2  }
0xe1: {  	[tilespmem:$0x7F0] =	vst v1  }
0xe2: {  	[tilespmem:$0xFE0] =	vst v2  }
0xe3: {  	[tilespmem:$0x7E0] =	vst v1  }
0xe4: {  	[tilespmem:$0x7D0] =	vst v1  }
0xe5: {  	[tilespmem:$0xFD0] =	vst v2  }
0xe6: {  	[tilespmem:s12], [sflag:$0x1] =	stream.indirect.gather [hbm4b:s4+s15], $0x80, s14, s15, $0xb8;
	[tilespmem:$0x1D000] =	vst v63  }
0xe7: {  	s11 =	rddreg [dreg:$0x6]  }
0xe8: {  	[tilespmem:s16], [sflag:$0x2] =	stream.indirect.gather [hbm4b:s4+s15], $0x80, s11, s15, $0xb8;
	[tilespmem:$0x1D000] =	vst v63  }
0xe9: {  	_ =	swait.ge [sflag:s17], $0x4000  }
0xea: {  	[sflag:s17] =	ssyncset.done $0x0  }
0xeb: {  	[sflag:s17] =	ssyncadd.s32 $0xFFFFC000  }
0xec: {  	[spmem:s2] =	stream.indirect.scatter.add.f32 [tilespmem:s12], [sflag:$0x3], $0x80, s3, s15, $0xb8;
	[tilespmem:$0x1D000] =	vst v63  }
0xed: {  	_ =	swait.ge [sflag:s13], $0x4000  }
0xee: {  	[sflag:s13] =	ssyncset.done $0x0  }
0xef: {  	s11 =	rddreg [dreg:$0x7];
	[sflag:s13] =	ssyncadd.s32 $0xFFFFC000  }
0xf0: {  	[tilespmem:s12], [sflag:$0x1] =	stream.indirect.gather [hbm4b:s4+s15], $0x80, s11, s15, $0xb8;
	[tilespmem:$0x1D000] =	vst v63  }
0xf1: {  	_ =	swait.ge [sflag:s18], $0x4000  }
0xf2: {  	[sflag:s18] =	ssyncset.done $0x0  }
0xf3: {  	[sflag:s18] =	ssyncadd.s32 $0xFFFFC000  }
0xf4: {  	[spmem:s2] =	stream.indirect.scatter.add.f32 [tilespmem:s16], [sflag:$0x3], $0x80, s15, s15, $0xb8;
	[tilespmem:$0x1D000] =	vst v63  }
0xf5: {  	_ =	swait.ge [sflag:s13], $0x4000  }
0xf6: {  	[sflag:s13] =	ssyncset.done $0x0  }
0xf7: {  	s11 =	rddreg [dreg:$0x8];
	[sflag:s13] =	ssyncadd.s32 $0xFFFFC000  }
0xf8: {  	[tilespmem:s16], [sflag:$0x2] =	stream.indirect.gather [hbm4b:s4+s15], $0x80, s11, s15, $0xb8;
	[tilespmem:$0x1D000] =	vst v63  }
0xf9: {  	_ =	swait.ge [sflag:s17], $0x4000  }
0xfa: {  	[sflag:s17] =	ssyncset.done $0x0  }
0xfb: {  	s11 =	rddreg [dreg:$0x9];
	[sflag:s17] =	ssyncadd.s32 $0xFFFFC000  }
0xfc: {  	[spmem:s2] =	stream.indirect.scatter.add.f32 [tilespmem:s12], [sflag:$0x3], $0x80, s11, s15, $0xb8;
	[tilespmem:$0x1D000] =	vst v63  }
0xfd: {  	_ =	swait.ge [sflag:s13], $0x4000  }
0xfe: {  	[sflag:s13] =	ssyncset.done $0x0  }
0xff: {  	s11 =	rddreg [dreg:$0xa];
	[sflag:s13] =	ssyncadd.s32 $0xFFFFC000  }
0x100: {  	[tilespmem:s12], [sflag:$0x1] =	stream.indirect.gather [hbm4b:s4+s15], $0x80, s11, s15, $0xb8;
	[tilespmem:$0x1D000] =	vst v63  }
0x101: {  	_ =	swait.ge [sflag:s18], $0x4000  }
0x102: {  	[sflag:s18] =	ssyncset.done $0x0  }
0x103: {  	s11 =	rddreg [dreg:$0xb];
	[sflag:s18] =	ssyncadd.s32 $0xFFFFC000  }
0x104: {  	[spmem:s2] =	stream.indirect.scatter.add.f32 [tilespmem:s16], [sflag:$0x3], $0x80, s11, s15, $0xb8;
	[tilespmem:$0x1D000] =	vst v63  }
0x105: {  	_ =	swait.ge [sflag:s13], $0x4000  }
0x106: {  	[sflag:s13] =	ssyncset.done $0x0  }
0x107: {  	s11 =	rddreg [dreg:$0xc];
	[sflag:s13] =	ssyncadd.s32 $0xFFFFC000  }
0x108: {  	[tilespmem:s16], [sflag:$0x2] =	stream.indirect.gather [hbm4b:s4+s15], $0x80, s11, s15, $0xb8;
	[tilespmem:$0x1D000] =	vst v63  }
0x109: {  	_ =	swait.ge [sflag:s17], $0x4000  }
0x10a: {  	[sflag:s17] =	ssyncset.done $0x0  }
0x10b: {  	s11 =	rddreg [dreg:$0xd];
	[sflag:s17] =	ssyncadd.s32 $0xFFFFC000  }
0x10c: {  	[spmem:s2] =	stream.indirect.scatter.add.f32 [tilespmem:s12], [sflag:$0x3], $0x80, s11, s15, $0xb8;
	[tilespmem:$0x1D000] =	vst v63  }
0x10d: {  	_ =	swait.ge [sflag:s13], $0x4000  }
0x10e: {  	[sflag:s13] =	ssyncset.done $0x0  }
0x10f: {  	s11 =	rddreg [dreg:$0xe];
	[sflag:s13] =	ssyncadd.s32 $0xFFFFC000  }
0x110: {  	[tilespmem:s12], [sflag:$0x1] =	stream.indirect.gather [hbm4b:s4+s15], $0x80, s11, s15, $0xb8;
	[tilespmem:$0x1D000] =	vst v63  }
0x111: {  	_ =	swait.ge [sflag:s18], $0x4000  }
0x112: {  	[sflag:s18] =	ssyncset.done $0x0  }
0x113: {  	s11 =	rddreg [dreg:$0xf];
	[sflag:s18] =	ssyncadd.s32 $0xFFFFC000  }
0x114: {  	[spmem:s2] =	stream.indirect.scatter.add.f32 [tilespmem:s16], [sflag:$0x3], $0x80, s11, s15, $0xb8;
	[tilespmem:$0x1D000] =	vst v63  }
0x115: {  	_ =	swait.ge [sflag:s13], $0x4000  }
0x116: {  	[sflag:s13] =	ssyncset.done $0x0  }
0x117: {  	s11 =	rddreg [dreg:$0x10];
	[sflag:s13] =	ssyncadd.s32 $0xFFFFC000  }
0x118: {  	[tilespmem:s16], [sflag:$0x2] =	stream.indirect.gather [hbm4b:s4+s15], $0x80, s11, s15, $0xb8;
	[tilespmem:$0x1D000] =	vst v63  }
0x119: {  	_ =	swait.ge [sflag:s17], $0x4000  }
0x11a: {  	[sflag:s17] =	ssyncset.done $0x0  }
0x11b: {  	s11 =	rddreg [dreg:$0x11];
	[sflag:s17] =	ssyncadd.s32 $0xFFFFC000  }
0x11c: {  	[spmem:s2] =	stream.indirect.scatter.add.f32 [tilespmem:s12], [sflag:$0x3], $0x80, s11, s15, $0xb8;
	[tilespmem:$0x1D000] =	vst v63  }
0x11d: {  	_ =	swait.ge [sflag:s13], $0x4000  }
0x11e: {  	[sflag:s13] =	ssyncset.done $0x0  }
0x11f: {  	[sflag:s13] =	ssyncadd.s32 $0xFFFFC000  }
0x120: {  	[tilespmem:s12], [sflag:$0x1] =	stream.indirect.gather [hbm4b:s4+s15], $0x80, s19, s15, $0xb8;
	[tilespmem:$0x1D000] =	vst v63  }
0x121: {  	_ =	swait.ge [sflag:s18], $0x4000  }
0x122: {  	[sflag:s18] =	ssyncset.done $0x0  }
0x123: {  	[sflag:s18] =	ssyncadd.s32 $0xFFFFC000  }
0x124: {  	[spmem:s2] =	stream.indirect.scatter.add.f32 [tilespmem:s16], [sflag:$0x3], $0x80, s20, s15, $0xb8;
	[tilespmem:$0x1D000] =	vst v63  }
0x125: {  	_ =	swait.ge [sflag:s13], $0x4000  }
0x126: {  	[sflag:s13] =	ssyncset.done $0x0  }
0x127: {  	[sflag:s13] =	ssyncadd.s32 $0xFFFFC000  }
0x128: {  	[tilespmem:s16], [sflag:$0x2] =	stream.indirect.gather [hbm4b:s4+s15], $0x80, s21, s15, $0xb8;
	[tilespmem:$0x1D000] =	vst v63  }
0x129: {  	_ =	swait.ge [sflag:s17], $0x4000  }
0x12a: {  	[sflag:s17] =	ssyncset.done $0x0  }
0x12b: {  	[sflag:s17] =	ssyncadd.s32 $0xFFFFC000  }
0x12c: {  	[spmem:s2] =	stream.indirect.scatter.add.f32 [tilespmem:s12], [sflag:$0x3], $0x80, s22, s15, $0xb8;
	[tilespmem:$0x1D000] =	vst v63  }
0x12d: {  	_ =	swait.ge [sflag:s13], $0x4000  }
0x12e: {  	[sflag:s13] =	ssyncset.done $0x0  }
0x12f: {  	[sflag:s13] =	ssyncadd.s32 $0xFFFFC000  }
0x130: {  	[tilespmem:s12], [sflag:$0x1] =	stream.indirect.gather [hbm4b:s4+s15], $0x80, s23, s15, $0xb8;
	[tilespmem:$0x1D000] =	vst v63  }
0x131: {  	_ =	swait.ge [sflag:s18], $0x4000  }
0x132: {  	[sflag:s18] =	ssyncset.done $0x0  }
0x133: {  	[sflag:s18] =	ssyncadd.s32 $0xFFFFC000  }
0x134: {  	[spmem:s2] =	stream.indirect.scatter.add.f32 [tilespmem:s16], [sflag:$0x3], $0x80, s24, s15, $0xb8;
	[tilespmem:$0x1D000] =	vst v63  }
0x135: {  	_ =	swait.ge [sflag:s13], $0x4000  }
0x136: {  	[sflag:s13] =	ssyncset.done $0x0  }
0x137: {  	[sflag:s13] =	ssyncadd.s32 $0xFFFFC000  }
0x138: {  	[tilespmem:s16], [sflag:$0x2] =	stream.indirect.gather [hbm4b:s4+s15], $0x80, s25, s15, $0xb8;
	[tilespmem:$0x1D000] =	vst v63  }
0x139: {  	_ =	swait.ge [sflag:s17], $0x4000  }
0x13a: {  	[sflag:s17] =	ssyncset.done $0x0  }
0x13b: {  	[sflag:s17] =	ssyncadd.s32 $0xFFFFC000  }
0x13c: {  	[spmem:s2] =	stream.indirect.scatter.add.f32 [tilespmem:s12], [sflag:$0x3], $0x80, s26, s15, $0xb8;
	[tilespmem:$0x1D000] =	vst v63  }
0x13d: {  	_ =	swait.ge [sflag:s13], $0x4000  }
0x13e: {  	[sflag:s13] =	ssyncset.done $0x0  }
0x13f: {  	[sflag:s13] =	ssyncadd.s32 $0xFFFFC000  }
0x140: {  	[tilespmem:s12], [sflag:$0x1] =	stream.indirect.gather [hbm4b:s4+s15], $0x80, s28, s15, $0xb8;
	[tilespmem:$0x1D000] =	vst v63  }
0x141: {  	_ =	swait.ge [sflag:s18], $0x4000  }
0x142: {  	[sflag:s18] =	ssyncset.done $0x0  }
0x143: {  	[sflag:s18] =	ssyncadd.s32 $0xFFFFC000  }
0x144: {  	[spmem:s2] =	stream.indirect.scatter.add.f32 [tilespmem:s16], [sflag:$0x3], $0x80, s29, s15, $0xb8;
	[tilespmem:$0x1D000] =	vst v63  }
0x145: {  	_ =	swait.ge [sflag:s13], $0x4000  }
0x146: {  	[sflag:s13] =	ssyncset.done $0x0  }
0x147: {  	[sflag:s13] =	ssyncadd.s32 $0xFFFFC000  }
0x148: {  	[tilespmem:s16], [sflag:$0x2] =	stream.indirect.gather [hbm4b:s4+s15], $0x80, s30, s15, $0xb8;
	[tilespmem:$0x1D000] =	vst v63  }
0x149: {  	_ =	swait.ge [sflag:s17], $0x4000  }
0x14a: {  	[sflag:s17] =	ssyncset.done $0x0  }
0x14b: {  	[sflag:s17] =	ssyncadd.s32 $0xFFFFC000  }
0x14c: {  	[spmem:s2] =	stream.indirect.scatter.add.f32 [tilespmem:s12], [sflag:$0x3], $0x80, s31, s15, $0xb8;
	[tilespmem:$0x1D000] =	vst v63  }
0x14d: {  	_ =	swait.ge [sflag:s13], $0x4000  }
0x14e: {  	[sflag:s13] =	ssyncset.done $0x0  }
0x14f: {  	[sflag:s13] =	ssyncadd.s32 $0xFFFFC000  }
0x150: {  	[tilespmem:s12], [sflag:$0x1] =	stream.indirect.gather [hbm4b:s4+s15], $0x80, s1, s15, $0xb8;
	[tilespmem:$0x1D000] =	vst v63  }
0x151: {  	_ =	swait.ge [sflag:s18], $0x4000  }
0x152: {  	[sflag:s18] =	ssyncset.done $0x0  }
0x153: {  	[sflag:s18] =	ssyncadd.s32 $0xFFFFC000  }
0x154: {  	[spmem:s2] =	stream.indirect.scatter.add.f32 [tilespmem:s16], [sflag:$0x3], $0x80, s0, s15, $0xb8;
	[tilespmem:$0x1D000] =	vst v63  }
0x155: {  	_ =	swait.ge [sflag:s13], $0x4000  }
0x156: {  	[sflag:s13] =	ssyncset.done $0x0  }
0x157: {  	[sflag:s13] =	ssyncadd.s32 $0xFFFFC000  }
0x158: {  	[tilespmem:s16], [sflag:$0x2] =	stream.indirect.gather [hbm4b:s4+s15], $0x80, s6, s15, $0xb8;
	[tilespmem:$0x1D000] =	vst v63  }
0x159: {  	_ =	swait.ge [sflag:s17], $0x4000  }
0x15a: {  	[sflag:s17] =	ssyncset.done $0x0  }
0x15b: {  	p0 =	sne.s32 s10, $0x3E8;
	[sflag:s17] =	ssyncadd.s32 $0xFFFFC000  }
0x15c: {  	[spmem:s2] =	stream.indirect.scatter.add.f32 [tilespmem:s12], [sflag:$0x3], $0x80, s7, s15, $0xb8;
	[tilespmem:$0x1D000] =	vst v63  }
.Ltmp1:
0x15d: {  	_ = 	snop;
	(pc) =	sbr.rel @p0 .LBB2_4-.Ltmp1, $4  }
0x15e: {  	_ =	swait.ge [sflag:s13], $0x4000  }
0x15f: {  	[sflag:s13] =	ssyncset.done $0x0  }
0x160: {  	[sflag:s13] =	ssyncadd.s32 $0xFFFFC000  }
0x161: {  	s10 =	sadd.s32 $0xFA, s10;
	_ =	swait.ge [sflag:s18], $0x4000  }
0x162: {  	[sflag:s18] =	ssyncset.done $0x0  }
0x163: {  	[sflag:s18] =	ssyncadd.s32 $0xFFFFC000  }
0x164: {  	[spmem:s2] =	stream.indirect.scatter.add.f32 [tilespmem:s16], [sflag:$0x3], $0x80, s8, s15, $0xb8;
	[tilespmem:$0x1D000] =	vst v63  }
0x165: {  	_ =	swait.ge [sflag:s13], $0x4000  }
0x166: {  	[sflag:s13] =	ssyncset.done $0x0  }
0x167: {  	[sflag:s13] =	ssyncadd.s32 $0xFFFFC000  }
0x168: {  	s5 =	stileid.u32;
	[bflag:$0x0] =	sbarrier.arrive $0xFFFF  }
0x169: {  	s5 =	sshll.u32 s5, $0x6;
	s10 =	rddreg [dreg:$0x12]  }
0x16a: {  	s5 =	sor.u32 $0x1C03, s5;
	s11 =	rddreg [dreg:$0x17];
	s10 =	sshrl.u32 s10, $0x3  }
0x16b: {  	[hbm:s11], [sflag:s5] =	dma.local [spmem:s10], $0x2800  }
0x16c: {  	_ =	swait.ge [sflag:s13], $0x2800  }
0x16d: {  	s9 =	sadd.s32 $0x1, s9;
	s11 =	rddreg [dreg:$0x18]  }
0x16e: {  	p0 =	sne.s32 s9, s11  }
.Ltmp2:
0x16f: {  	_ = 	snop;
	(pc) =	sbr.rel @p0 .LBB2_1-.Ltmp2, $3  }
0x170: {  	_ =	sdelay $0x1  }
0x171: {  	[sflag:s13] =	ssyncset.done $0x0  }
0x172: {  	[sflag:s13] =	ssyncadd.s32 $0xFFFFD800  }
0x173: {  	_ =	sfence.sel $0x180000  }
0x174: {  	[bflag:$0x0] =	sbarrier.arrive $0xFFFF  }
0x175: {  	_ =	strace $0x90000047  }
0x176: {  	s0 =	stileid.u32;
	[bflag:$0x2] =	sbarrier.arrive $0xFFFF  }
0x177: {  	p0 =	sne.s32 s0, $0x0;
	s0 =	rddreg [dreg:$0x3]  }
0x178: {  	s0 =	sadd.s32 @!p0 $0x100000, s0  }
0x179: {  	[sflag:s0] =	ssyncadd.tile.s32 @!p0 $0x1;
	_ =	shalt  }
.Lfunc_end2:
_tile_overlayer_lowered:
.L_overlay_start_2:
0x17a: {  	(tag) =	ssettag $0x2  }
0x17b: {  	s0 =	rddreg [dreg:$0x0];
	s2 =	stileid.u32  }
0x17c: {  	s1 =	rddreg [dreg:$0x1];
	p0 =	sne.s32 s2, $0x0  }
0x17d: {  	s3 =	rddreg [dreg:$0x2];
	[bflag:$0x3] =	sbarrier.arrive $0xFFFF;
	s2 =	simm.s32 @!p0 $0x1C03  }
0x17e: {  	[timem:s3], [sflag:s2] =	dma.local @!p0 [hbm:s0], s1  }
0x17f: {  	s0 =	simm.s32 @!p0 $0x3  }
0x180: {  	_ =	swait.ge @!p0 [sflag:s0], s1  }
0x181: {  	s1 =	ssub.s32 @!p0 $0x0, s1;
	[sflag:s0] =	ssyncset.done @!p0 $0x0  }
0x182: {  	[sflag:s0] =	ssyncadd.s32 @!p0 s1  }
0x183: {  	[bflag:$0x3] =	sbarrier.arrive $0xFFFF  }
0x184: {  	_ =	shalt  }

</sc_bundles>
